<compile_context>
chip_gen: v7x
topology: tpu7x:2x2x1
jax: 0.10.2.dev20260603
libtpu: 0.0.44.dev20260713+nightly
codegen_flags: <defaults>
</compile_context>

<pallas_src>
import jax
import jax.numpy as jnp
from jax import lax
from jax.experimental import pallas as pl
from jax.experimental.pallas import tpu as pltpu
from jax.experimental.pallas import tpu_sc as plsc

NUM_LOCATIONS = 1000000
NUM_TIME_SLOTS = 1440
EMBED_DIM = 64
BATCH = 16384
SEQ = 50

N = BATCH * SEQ
NC, NS = 2, 16
NW = NC * NS
PER_W = N // NW
CHUNK = 128
G = PER_W // CHUNK
D = EMBED_DIM
SEQ_PAD = 56
WIDE = 128
N_PAD = BATCH * SEQ_PAD
NBUF = 4


def _sc_body(loc_hbm, time_hbm, ridx_hbm, spat_hbm, tmp_hbm, out_hbm,
             loc_v, time_v, ridx_v, gbuf, tmp_sh, *sems):
    sem_g = sems[:NBUF]
    sem_s = sems[NBUF:]
    wid = lax.axis_index("s") * NC + lax.axis_index("c")

    @pl.when(lax.axis_index("s") == 0)
    def _():
        pltpu.sync_copy(tmp_hbm, tmp_sh)

    pltpu.sync_copy(loc_hbm.at[wid], loc_v)
    pltpu.sync_copy(time_hbm.at[wid], time_v)
    pltpu.sync_copy(ridx_hbm.at[wid], ridx_v)
    plsc.subcore_barrier()

    def stage_a(g, b, prime=False):
        if not prime:
            pltpu.make_async_copy(
                gbuf.at[b], out_hbm.at[ridx_v.at[g - NBUF]], sem_s[b]).wait()
        pltpu.async_copy(tmp_sh.at[time_v.at[g]], gbuf.at[b], sem_g[b])

    def stage_b(g, b):
        pltpu.make_async_copy(
            tmp_sh.at[time_v.at[g]], gbuf.at[b], sem_g[b]).wait()
        pltpu.async_copy(spat_hbm.at[loc_v.at[g]], gbuf.at[b], sem_g[b],
                         add=True)

    def stage_c(g, b):
        pltpu.make_async_copy(
            spat_hbm.at[loc_v.at[g]], gbuf.at[b], sem_g[b]).wait()
        pltpu.async_copy(gbuf.at[b], out_hbm.at[ridx_v.at[g]], sem_s[b])

    stage_a(0, 0, prime=True)
    stage_a(1, 1, prime=True)
    stage_b(0, 0)

    for b in range(NBUF):
        g = b
        stage_c(g, b)
        stage_b(g + 1, (b + 1) % NBUF)
        stage_a(g + 2, (b + 2) % NBUF, prime=(g + 2 < NBUF))

    def step(i, carry):
        for b in range(NBUF):
            g = i * NBUF + b
            stage_c(g, b)

            @pl.when(g + 1 < G)
            def _():
                stage_b(g + 1, (b + 1) % NBUF)

            @pl.when(g + 2 < G)
            def _():
                stage_a(g + 2, (b + 2) % NBUF, prime=False)
        return carry

    lax.fori_loop(1, G // NBUF, step, 0)

    for b in range(NBUF):
        last = G - NBUF + b
        pltpu.make_async_copy(
            gbuf.at[b], out_hbm.at[ridx_v.at[last]], sem_s[b]).wait()


@jax.jit
def _run(loc_3d, time_3d, ridx_3d, spatial_table, temporal_table):
    mesh = plsc.VectorSubcoreMesh(core_axis_name="c", subcore_axis_name="s")
    f = pl.kernel(
        _sc_body,
        out_type=jax.ShapeDtypeStruct((2 * N_PAD, D), jnp.float32),
        mesh=mesh,
        scratch_types=[
            pltpu.VMEM((G, CHUNK), jnp.int32),
            pltpu.VMEM((G, CHUNK), jnp.int32),
            pltpu.VMEM((G, CHUNK), jnp.int32),
            pltpu.VMEM((NBUF, CHUNK, D), jnp.float32),
            pltpu.VMEM_SHARED((NUM_TIME_SLOTS, D), jnp.float32),
        ] + [pltpu.SemaphoreType.DMA] * (2 * NBUF),
        compiler_params=pltpu.CompilerParams(use_tc_tiling_on_sc=False),
    )
    return f(loc_3d, time_3d, ridx_3d, spatial_table, temporal_table)


def kernel(loc_ids, time_ids, spatial_table, temporal_table):
    loc_3d = loc_ids.reshape(NW, G, CHUNK).astype(jnp.int32)
    time_3d = time_ids.reshape(NW, G, CHUNK).astype(jnp.int32)
    n = jnp.arange(N, dtype=jnp.int32)
    ridx_3d = (2 * (n + (n // SEQ) * (SEQ_PAD - SEQ))).reshape(NW, G, CHUNK)
    out_half = _run(loc_3d, time_3d, ridx_3d, spatial_table, temporal_table)
    return out_half.reshape(BATCH, SEQ_PAD, WIDE)[:, :SEQ, :D]

# --- scband reference (transcript-rebuilt; emitter-appended) ---
"""Pipeline reference for scband-spatio-tmp-embed-41283225649174 (READ-ONLY COPY).

The authoritative reference and input builder live on the scoring server;
editing this copy changes nothing except your own understanding.
"""

import jax, jax.numpy as jnp
import numpy as np

NUM_LOCATIONS = 1000000
NUM_TIME_SLOTS = 1440
EMBED_DIM = 64
BATCH = 16384
SEQ = 50


def setup_inputs(seed: int = 0) -> dict:
    key = jax.random.key(seed)
    k1, k2, k3, k4 = jax.random.split(key, 4)
    loc_ids = jax.random.randint(k1, (BATCH, SEQ), 0, NUM_LOCATIONS)
    time_ids = jax.random.randint(k2, (BATCH, SEQ), 0, NUM_TIME_SLOTS)
    spatial_table = jax.random.normal(k3, (NUM_LOCATIONS, EMBED_DIM), dtype=jnp.float32) * 0.02
    temporal_table = jax.random.normal(k4, (NUM_TIME_SLOTS, EMBED_DIM), dtype=jnp.float32) * 0.02
    return {
        "loc_ids": loc_ids,
        "time_ids": time_ids,
        "spatial_table": spatial_table,
        "temporal_table": temporal_table,
    }


def reference(loc_ids, time_ids, spatial_table, temporal_table):
    # Spatio-temporal embedding: gather location embedding + time-slot embedding
    spatial_emb = jnp.take(spatial_table, loc_ids, axis=0)   # [B, L, D]
    temporal_emb = jnp.take(temporal_table, time_ids, axis=0)  # [B, L, D]
    return spatial_emb + temporal_emb

if __name__ == "__main__":
    import jax
    _d = setup_inputs()
    print(jax.jit(kernel)(*tuple(_d.values())))

</pallas_src>

<mosaic_0001>
#map = affine_map<(d0, d1) -> (0, 0, 0)>
#map1 = affine_map<(d0, d1) -> (0, 0)>
module attributes {stable_mosaic.version = 14 : i64} {
  func.func @_sc_body(%arg0: i32, %arg1: i32, %arg2: memref<32x200x128xi32, #tpu.memory_space<hbm>>, %arg3: memref<32x200x128xi32, #tpu.memory_space<hbm>>, %arg4: memref<32x200x128xi32, #tpu.memory_space<hbm>>, %arg5: memref<1000000x64xf32, #tpu.memory_space<hbm>>, %arg6: memref<1440x64xf32, #tpu.memory_space<hbm>>, %arg7: memref<1835008x64xf32, #tpu.memory_space<hbm>>, %arg8: memref<200x128xi32, #tpu.memory_space<vmem>>, %arg9: memref<200x128xi32, #tpu.memory_space<vmem>>, %arg10: memref<200x128xi32, #tpu.memory_space<vmem>>, %arg11: memref<4x128x64xf32, #tpu.memory_space<vmem>>, %arg12: memref<1440x64xf32, #tpu.memory_space<vmem_shared>>, %arg13: memref<!tpu.dma_semaphore, #tpu.memory_space<semaphore_mem>>, %arg14: memref<!tpu.dma_semaphore, #tpu.memory_space<semaphore_mem>>, %arg15: memref<!tpu.dma_semaphore, #tpu.memory_space<semaphore_mem>>, %arg16: memref<!tpu.dma_semaphore, #tpu.memory_space<semaphore_mem>>, %arg17: memref<!tpu.dma_semaphore, #tpu.memory_space<semaphore_mem>>, %arg18: memref<!tpu.dma_semaphore, #tpu.memory_space<semaphore_mem>>, %arg19: memref<!tpu.dma_semaphore, #tpu.memory_space<semaphore_mem>>, %arg20: memref<!tpu.dma_semaphore, #tpu.memory_space<semaphore_mem>>) attributes {dimension_semantics = [#tpu.dimension_semantics<core_parallel>, #tpu.dimension_semantics<subcore_parallel>], iteration_bounds = array<i64: 2, 16>, scalar_prefetch = 0 : i64, scratch_operands = 13 : i64, tpu.core_type = #tpu.core_type<sc_vector_subcore>, window_params = [{transform_indices = #map}, {transform_indices = #map}, {transform_indices = #map}, {transform_indices = #map1}, {transform_indices = #map1}, {transform_indices = #map1}]} {
    %mul3A = arith.constant 2 : i32
    %mul3A_0 = arith.muli %arg1, %mul3A : i32
    %add3A = arith.addi %mul3A_0, %arg0 : i32
    %eq3A = arith.constant 0 : i32
    %eq3A_1 = arith.cmpi eq, %arg1, %eq3A : i32
    %convert_element_type3A = arith.extui %eq3A_1 : i1 to i32
    %cond3A = arith.constant 0 : i32
    %cond3A_2 = arith.cmpi ne, %convert_element_type3A, %cond3A : i32
    scf.if %cond3A_2 {
      "tpu.region"() ({
        %run_scoped3A = tpu.sem_alloc : memref<!tpu.dma_semaphore, #tpu.memory_space<semaphore_mem>>
        tpu.enqueue_dma source(%arg6 : memref<1440x64xf32, #tpu.memory_space<hbm>>) target(%arg12 : memref<1440x64xf32, #tpu.memory_space<vmem_shared>>) target_semaphore(%run_scoped3A : memref<!tpu.dma_semaphore, #tpu.memory_space<semaphore_mem>>)
        tpu.wait_dma2 semaphore(%run_scoped3A : memref<!tpu.dma_semaphore, #tpu.memory_space<semaphore_mem>>) src(%arg6 : memref<1440x64xf32, #tpu.memory_space<hbm>>) dst(%arg12 : memref<1440x64xf32, #tpu.memory_space<vmem_shared>>)
        tpu.yield
      }) : () -> ()
    } else {
    }
    "tpu.region"() ({
      %run_scoped3A = tpu.sem_alloc : memref<!tpu.dma_semaphore, #tpu.memory_space<semaphore_mem>>
      %dma_start3A_366 = arith.constant 0 : i32
      %dma_start3A_367 = arith.constant 0 : i32
      %dma_start3A_368 = tpu.memref_slice %arg2[%add3A, %dma_start3A_366, %dma_start3A_367] : memref<32x200x128xi32, #tpu.memory_space<hbm>> -> memref<1x200x128xi32, #tpu.memory_space<hbm>>
      %dma_start3A_369 = tpu.memref_squeeze %dma_start3A_368 : memref<1x200x128xi32, #tpu.memory_space<hbm>> -> memref<200x128xi32, #tpu.memory_space<hbm>>
      %dma_start3A_370 = arith.constant 0 : i32
      %dma_start3A_371 = arith.constant 0 : i32
      %dma_start3A_372 = tpu.memref_slice %arg2[%add3A, %dma_start3A_370, %dma_start3A_371] : memref<32x200x128xi32, #tpu.memory_space<hbm>> -> memref<1x200x128xi32, #tpu.memory_space<hbm>>
      %dma_start3A_373 = tpu.memref_squeeze %dma_start3A_372 : memref<1x200x128xi32, #tpu.memory_space<hbm>> -> memref<200x128xi32, #tpu.memory_space<hbm>>
      tpu.enqueue_dma source(%dma_start3A_373 : memref<200x128xi32, #tpu.memory_space<hbm>>) target(%arg8 : memref<200x128xi32, #tpu.memory_space<vmem>>) target_semaphore(%run_scoped3A : memref<!tpu.dma_semaphore, #tpu.memory_space<semaphore_mem>>)
      %dma_wait3A_374 = arith.constant 0 : i32
      %dma_wait3A_375 = arith.constant 0 : i32
      %dma_wait3A_376 = tpu.memref_slice %arg2[%add3A, %dma_wait3A_374, %dma_wait3A_375] : memref<32x200x128xi32, #tpu.memory_space<hbm>> -> memref<1x200x128xi32, #tpu.memory_space<hbm>>
      %dma_wait3A_377 = tpu.memref_squeeze %dma_wait3A_376 : memref<1x200x128xi32, #tpu.memory_space<hbm>> -> memref<200x128xi32, #tpu.memory_space<hbm>>
      %dma_wait3A_378 = arith.constant 0 : i32
      %dma_wait3A_379 = arith.constant 0 : i32
      %dma_wait3A_380 = tpu.memref_slice %arg2[%add3A, %dma_wait3A_378, %dma_wait3A_379] : memref<32x200x128xi32, #tpu.memory_space<hbm>> -> memref<1x200x128xi32, #tpu.memory_space<hbm>>
      %dma_wait3A_381 = tpu.memref_squeeze %dma_wait3A_380 : memref<1x200x128xi32, #tpu.memory_space<hbm>> -> memref<200x128xi32, #tpu.memory_space<hbm>>
      tpu.wait_dma2 semaphore(%run_scoped3A : memref<!tpu.dma_semaphore, #tpu.memory_space<semaphore_mem>>) src(%dma_wait3A_381 : memref<200x128xi32, #tpu.memory_space<hbm>>) dst(%arg8 : memref<200x128xi32, #tpu.memory_space<vmem>>)
      tpu.yield
    }) : () -> ()
    "tpu.region"() ({
      %run_scoped3A = tpu.sem_alloc : memref<!tpu.dma_semaphore, #tpu.memory_space<semaphore_mem>>
      %dma_start3A_366 = arith.constant 0 : i32
      %dma_start3A_367 = arith.constant 0 : i32
      %dma_start3A_368 = tpu.memref_slice %arg3[%add3A, %dma_start3A_366, %dma_start3A_367] : memref<32x200x128xi32, #tpu.memory_space<hbm>> -> memref<1x200x128xi32, #tpu.memory_space<hbm>>
      %dma_start3A_369 = tpu.memref_squeeze %dma_start3A_368 : memref<1x200x128xi32, #tpu.memory_space<hbm>> -> memref<200x128xi32, #tpu.memory_space<hbm>>
      %dma_start3A_370 = arith.constant 0 : i32
      %dma_start3A_371 = arith.constant 0 : i32
      %dma_start3A_372 = tpu.memref_slice %arg3[%add3A, %dma_start3A_370, %dma_start3A_371] : memref<32x200x128xi32, #tpu.memory_space<hbm>> -> memref<1x200x128xi32, #tpu.memory_space<hbm>>
      %dma_start3A_373 = tpu.memref_squeeze %dma_start3A_372 : memref<1x200x128xi32, #tpu.memory_space<hbm>> -> memref<200x128xi32, #tpu.memory_space<hbm>>
      tpu.enqueue_dma source(%dma_start3A_373 : memref<200x128xi32, #tpu.memory_space<hbm>>) target(%arg9 : memref<200x128xi32, #tpu.memory_space<vmem>>) target_semaphore(%run_scoped3A : memref<!tpu.dma_semaphore, #tpu.memory_space<semaphore_mem>>)
      %dma_wait3A_374 = arith.constant 0 : i32
      %dma_wait3A_375 = arith.constant 0 : i32
      %dma_wait3A_376 = tpu.memref_slice %arg3[%add3A, %dma_wait3A_374, %dma_wait3A_375] : memref<32x200x128xi32, #tpu.memory_space<hbm>> -> memref<1x200x128xi32, #tpu.memory_space<hbm>>
      %dma_wait3A_377 = tpu.memref_squeeze %dma_wait3A_376 : memref<1x200x128xi32, #tpu.memory_space<hbm>> -> memref<200x128xi32, #tpu.memory_space<hbm>>
      %dma_wait3A_378 = arith.constant 0 : i32
      %dma_wait3A_379 = arith.constant 0 : i32
      %dma_wait3A_380 = tpu.memref_slice %arg3[%add3A, %dma_wait3A_378, %dma_wait3A_379] : memref<32x200x128xi32, #tpu.memory_space<hbm>> -> memref<1x200x128xi32, #tpu.memory_space<hbm>>
      %dma_wait3A_381 = tpu.memref_squeeze %dma_wait3A_380 : memref<1x200x128xi32, #tpu.memory_space<hbm>> -> memref<200x128xi32, #tpu.memory_space<hbm>>
      tpu.wait_dma2 semaphore(%run_scoped3A : memref<!tpu.dma_semaphore, #tpu.memory_space<semaphore_mem>>) src(%dma_wait3A_381 : memref<200x128xi32, #tpu.memory_space<hbm>>) dst(%arg9 : memref<200x128xi32, #tpu.memory_space<vmem>>)
      tpu.yield
    }) : () -> ()
    "tpu.region"() ({
      %run_scoped3A = tpu.sem_alloc : memref<!tpu.dma_semaphore, #tpu.memory_space<semaphore_mem>>
      %dma_start3A_366 = arith.constant 0 : i32
      %dma_start3A_367 = arith.constant 0 : i32
      %dma_start3A_368 = tpu.memref_slice %arg4[%add3A, %dma_start3A_366, %dma_start3A_367] : memref<32x200x128xi32, #tpu.memory_space<hbm>> -> memref<1x200x128xi32, #tpu.memory_space<hbm>>
      %dma_start3A_369 = tpu.memref_squeeze %dma_start3A_368 : memref<1x200x128xi32, #tpu.memory_space<hbm>> -> memref<200x128xi32, #tpu.memory_space<hbm>>
      %dma_start3A_370 = arith.constant 0 : i32
      %dma_start3A_371 = arith.constant 0 : i32
      %dma_start3A_372 = tpu.memref_slice %arg4[%add3A, %dma_start3A_370, %dma_start3A_371] : memref<32x200x128xi32, #tpu.memory_space<hbm>> -> memref<1x200x128xi32, #tpu.memory_space<hbm>>
      %dma_start3A_373 = tpu.memref_squeeze %dma_start3A_372 : memref<1x200x128xi32, #tpu.memory_space<hbm>> -> memref<200x128xi32, #tpu.memory_space<hbm>>
      tpu.enqueue_dma source(%dma_start3A_373 : memref<200x128xi32, #tpu.memory_space<hbm>>) target(%arg10 : memref<200x128xi32, #tpu.memory_space<vmem>>) target_semaphore(%run_scoped3A : memref<!tpu.dma_semaphore, #tpu.memory_space<semaphore_mem>>)
      %dma_wait3A_374 = arith.constant 0 : i32
      %dma_wait3A_375 = arith.constant 0 : i32
      %dma_wait3A_376 = tpu.memref_slice %arg4[%add3A, %dma_wait3A_374, %dma_wait3A_375] : memref<32x200x128xi32, #tpu.memory_space<hbm>> -> memref<1x200x128xi32, #tpu.memory_space<hbm>>
      %dma_wait3A_377 = tpu.memref_squeeze %dma_wait3A_376 : memref<1x200x128xi32, #tpu.memory_space<hbm>> -> memref<200x128xi32, #tpu.memory_space<hbm>>
      %dma_wait3A_378 = arith.constant 0 : i32
      %dma_wait3A_379 = arith.constant 0 : i32
      %dma_wait3A_380 = tpu.memref_slice %arg4[%add3A, %dma_wait3A_378, %dma_wait3A_379] : memref<32x200x128xi32, #tpu.memory_space<hbm>> -> memref<1x200x128xi32, #tpu.memory_space<hbm>>
      %dma_wait3A_381 = tpu.memref_squeeze %dma_wait3A_380 : memref<1x200x128xi32, #tpu.memory_space<hbm>> -> memref<200x128xi32, #tpu.memory_space<hbm>>
      tpu.wait_dma2 semaphore(%run_scoped3A : memref<!tpu.dma_semaphore, #tpu.memory_space<semaphore_mem>>) src(%dma_wait3A_381 : memref<200x128xi32, #tpu.memory_space<hbm>>) dst(%arg10 : memref<200x128xi32, #tpu.memory_space<vmem>>)
      tpu.yield
    }) : () -> ()
    %barrier3A = arith.constant 0 : index
    tpu.barrier barrier_id(%barrier3A)
    %dma_start3A = arith.constant 0 : i32
    %dma_start3A_3 = arith.constant 0 : i32
    %dma_start3A_4 = arith.constant 0 : i32
    %dma_start3A_5 = arith.constant 0 : i32
    %dma_start3A_6 = tpu.memref_slice %arg11[%dma_start3A_3, %dma_start3A_4, %dma_start3A_5] : memref<4x128x64xf32, #tpu.memory_space<vmem>> -> memref<1x128x64xf32, #tpu.memory_space<vmem>>
    %dma_start3A_7 = tpu.memref_squeeze %dma_start3A_6 : memref<1x128x64xf32, #tpu.memory_space<vmem>> -> memref<128x64xf32, #tpu.memory_space<vmem>>
    %dma_start3A_8 = arith.constant 0 : i32
    %dma_start3A_9 = tpu.memref_slice %arg9[%dma_start3A, %dma_start3A_8] : memref<200x128xi32, #tpu.memory_space<vmem>> -> memref<1x128xi32, #tpu.memory_space<vmem>>
    %dma_start3A_10 = tpu.memref_squeeze %dma_start3A_9 : memref<1x128xi32, #tpu.memory_space<vmem>> -> memref<128xi32, #tpu.memory_space<vmem>>
    %dma_start3A_11 = arith.constant 0 : i32
    %dma_start3A_12 = arith.constant 0 : i32
    %dma_start3A_13 = tpu.memref_slice %arg12[%dma_start3A_11, %dma_start3A_12] : memref<1440x64xf32, #tpu.memory_space<vmem_shared>> -> memref<1440x64xf32, #tpu.memory_space<vmem_shared>>
    tpu.enqueue_indirect_dma source(%dma_start3A_13 : memref<1440x64xf32, #tpu.memory_space<vmem_shared>>) target(%dma_start3A_7 : memref<128x64xf32, #tpu.memory_space<vmem>>) offsets(%dma_start3A_10 : memref<128xi32, #tpu.memory_space<vmem>>) semaphore(%arg13 : memref<!tpu.dma_semaphore, #tpu.memory_space<semaphore_mem>>)
    %dma_start3A_14 = arith.constant 1 : i32
    %dma_start3A_15 = arith.constant 1 : i32
    %dma_start3A_16 = arith.constant 0 : i32
    %dma_start3A_17 = arith.constant 0 : i32
    %dma_start3A_18 = tpu.memref_slice %arg11[%dma_start3A_15, %dma_start3A_16, %dma_start3A_17] : memref<4x128x64xf32, #tpu.memory_space<vmem>> -> memref<1x128x64xf32, #tpu.memory_space<vmem>>
    %dma_start3A_19 = tpu.memref_squeeze %dma_start3A_18 : memref<1x128x64xf32, #tpu.memory_space<vmem>> -> memref<128x64xf32, #tpu.memory_space<vmem>>
    %dma_start3A_20 = arith.constant 0 : i32
    %dma_start3A_21 = tpu.memref_slice %arg9[%dma_start3A_14, %dma_start3A_20] : memref<200x128xi32, #tpu.memory_space<vmem>> -> memref<1x128xi32, #tpu.memory_space<vmem>>
    %dma_start3A_22 = tpu.memref_squeeze %dma_start3A_21 : memref<1x128xi32, #tpu.memory_space<vmem>> -> memref<128xi32, #tpu.memory_space<vmem>>
    %dma_start3A_23 = arith.constant 0 : i32
    %dma_start3A_24 = arith.constant 0 : i32
    %dma_start3A_25 = tpu.memref_slice %arg12[%dma_start3A_23, %dma_start3A_24] : memref<1440x64xf32, #tpu.memory_space<vmem_shared>> -> memref<1440x64xf32, #tpu.memory_space<vmem_shared>>
    tpu.enqueue_indirect_dma source(%dma_start3A_25 : memref<1440x64xf32, #tpu.memory_space<vmem_shared>>) target(%dma_start3A_19 : memref<128x64xf32, #tpu.memory_space<vmem>>) offsets(%dma_start3A_22 : memref<128xi32, #tpu.memory_space<vmem>>) semaphore(%arg14 : memref<!tpu.dma_semaphore, #tpu.memory_space<semaphore_mem>>)
    %dma_wait3A = arith.constant 0 : i32
    %dma_wait3A_26 = arith.constant 0 : i32
    %dma_wait3A_27 = arith.constant 0 : i32
    %dma_wait3A_28 = arith.constant 0 : i32
    %dma_wait3A_29 = tpu.memref_slice %arg11[%dma_wait3A_26, %dma_wait3A_27, %dma_wait3A_28] : memref<4x128x64xf32, #tpu.memory_space<vmem>> -> memref<1x128x64xf32, #tpu.memory_space<vmem>>
    %dma_wait3A_30 = tpu.memref_squeeze %dma_wait3A_29 : memref<1x128x64xf32, #tpu.memory_space<vmem>> -> memref<128x64xf32, #tpu.memory_space<vmem>>
    %dma_wait3A_31 = arith.constant 0 : i32
    %dma_wait3A_32 = tpu.memref_slice %arg9[%dma_wait3A, %dma_wait3A_31] : memref<200x128xi32, #tpu.memory_space<vmem>> -> memref<1x128xi32, #tpu.memory_space<vmem>>
    %dma_wait3A_33 = tpu.memref_squeeze %dma_wait3A_32 : memref<1x128xi32, #tpu.memory_space<vmem>> -> memref<128xi32, #tpu.memory_space<vmem>>
    %dma_wait3A_34 = arith.constant 0 : i32
    %dma_wait3A_35 = arith.constant 0 : i32
    %dma_wait3A_36 = tpu.memref_slice %arg12[%dma_wait3A_34, %dma_wait3A_35] : memref<1440x64xf32, #tpu.memory_space<vmem_shared>> -> memref<1440x64xf32, #tpu.memory_space<vmem_shared>>
    tpu.wait_indirect_dma semaphore(%arg13 : memref<!tpu.dma_semaphore, #tpu.memory_space<semaphore_mem>>) src(%dma_wait3A_36 : memref<1440x64xf32, #tpu.memory_space<vmem_shared>>) dst(%dma_wait3A_30 : memref<128x64xf32, #tpu.memory_space<vmem>>)
    %dma_start3A_37 = arith.constant 0 : i32
    %dma_start3A_38 = arith.constant 0 : i32
    %dma_start3A_39 = arith.constant 0 : i32
    %dma_start3A_40 = arith.constant 0 : i32
    %dma_start3A_41 = tpu.memref_slice %arg11[%dma_start3A_38, %dma_start3A_39, %dma_start3A_40] : memref<4x128x64xf32, #tpu.memory_space<vmem>> -> memref<1x128x64xf32, #tpu.memory_space<vmem>>
    %dma_start3A_42 = tpu.memref_squeeze %dma_start3A_41 : memref<1x128x64xf32, #tpu.memory_space<vmem>> -> memref<128x64xf32, #tpu.memory_space<vmem>>
    %dma_start3A_43 = arith.constant 0 : i32
    %dma_start3A_44 = tpu.memref_slice %arg8[%dma_start3A_37, %dma_start3A_43] : memref<200x128xi32, #tpu.memory_space<vmem>> -> memref<1x128xi32, #tpu.memory_space<vmem>>
    %dma_start3A_45 = tpu.memref_squeeze %dma_start3A_44 : memref<1x128xi32, #tpu.memory_space<vmem>> -> memref<128xi32, #tpu.memory_space<vmem>>
    %dma_start3A_46 = arith.constant 0 : i32
    %dma_start3A_47 = arith.constant 0 : i32
    %dma_start3A_48 = tpu.memref_slice %arg5[%dma_start3A_46, %dma_start3A_47] : memref<1000000x64xf32, #tpu.memory_space<hbm>> -> memref<1000000x64xf32, #tpu.memory_space<hbm>>
    tpu.enqueue_indirect_dma source(%dma_start3A_48 : memref<1000000x64xf32, #tpu.memory_space<hbm>>) target(%dma_start3A_42 : memref<128x64xf32, #tpu.memory_space<vmem>>) offsets(%dma_start3A_45 : memref<128xi32, #tpu.memory_space<vmem>>) semaphore(%arg13 : memref<!tpu.dma_semaphore, #tpu.memory_space<semaphore_mem>>) {add = true}
    %dma_wait3A_49 = arith.constant 0 : i32
    %dma_wait3A_50 = arith.constant 0 : i32
    %dma_wait3A_51 = arith.constant 0 : i32
    %dma_wait3A_52 = arith.constant 0 : i32
    %dma_wait3A_53 = tpu.memref_slice %arg11[%dma_wait3A_50, %dma_wait3A_51, %dma_wait3A_52] : memref<4x128x64xf32, #tpu.memory_space<vmem>> -> memref<1x128x64xf32, #tpu.memory_space<vmem>>
    %dma_wait3A_54 = tpu.memref_squeeze %dma_wait3A_53 : memref<1x128x64xf32, #tpu.memory_space<vmem>> -> memref<128x64xf32, #tpu.memory_space<vmem>>
    %dma_wait3A_55 = arith.constant 0 : i32
    %dma_wait3A_56 = tpu.memref_slice %arg8[%dma_wait3A_49, %dma_wait3A_55] : memref<200x128xi32, #tpu.memory_space<vmem>> -> memref<1x128xi32, #tpu.memory_space<vmem>>
    %dma_wait3A_57 = tpu.memref_squeeze %dma_wait3A_56 : memref<1x128xi32, #tpu.memory_space<vmem>> -> memref<128xi32, #tpu.memory_space<vmem>>
    %dma_wait3A_58 = arith.constant 0 : i32
    %dma_wait3A_59 = arith.constant 0 : i32
    %dma_wait3A_60 = tpu.memref_slice %arg5[%dma_wait3A_58, %dma_wait3A_59] : memref<1000000x64xf32, #tpu.memory_space<hbm>> -> memref<1000000x64xf32, #tpu.memory_space<hbm>>
    tpu.wait_indirect_dma semaphore(%arg13 : memref<!tpu.dma_semaphore, #tpu.memory_space<semaphore_mem>>) src(%dma_wait3A_60 : memref<1000000x64xf32, #tpu.memory_space<hbm>>) dst(%dma_wait3A_54 : memref<128x64xf32, #tpu.memory_space<vmem>>)
    %dma_start3A_61 = arith.constant 0 : i32
    %dma_start3A_62 = arith.constant 0 : i32
    %dma_start3A_63 = arith.constant 0 : i32
    %dma_start3A_64 = arith.constant 0 : i32
    %dma_start3A_65 = tpu.memref_slice %arg11[%dma_start3A_61, %dma_start3A_63, %dma_start3A_64] : memref<4x128x64xf32, #tpu.memory_space<vmem>> -> memref<1x128x64xf32, #tpu.memory_space<vmem>>
    %dma_start3A_66 = tpu.memref_squeeze %dma_start3A_65 : memref<1x128x64xf32, #tpu.memory_space<vmem>> -> memref<128x64xf32, #tpu.memory_space<vmem>>
    %dma_start3A_67 = arith.constant 0 : i32
    %dma_start3A_68 = tpu.memref_slice %arg10[%dma_start3A_62, %dma_start3A_67] : memref<200x128xi32, #tpu.memory_space<vmem>> -> memref<1x128xi32, #tpu.memory_space<vmem>>
    %dma_start3A_69 = tpu.memref_squeeze %dma_start3A_68 : memref<1x128xi32, #tpu.memory_space<vmem>> -> memref<128xi32, #tpu.memory_space<vmem>>
    %dma_start3A_70 = arith.constant 0 : i32
    %dma_start3A_71 = arith.constant 0 : i32
    %dma_start3A_72 = tpu.memref_slice %arg7[%dma_start3A_70, %dma_start3A_71] : memref<1835008x64xf32, #tpu.memory_space<hbm>> -> memref<1835008x64xf32, #tpu.memory_space<hbm>>
    tpu.enqueue_indirect_dma source(%dma_start3A_66 : memref<128x64xf32, #tpu.memory_space<vmem>>) target(%dma_start3A_72 : memref<1835008x64xf32, #tpu.memory_space<hbm>>) offsets(%dma_start3A_69 : memref<128xi32, #tpu.memory_space<vmem>>) semaphore(%arg17 : memref<!tpu.dma_semaphore, #tpu.memory_space<semaphore_mem>>)
    %dma_wait3A_73 = arith.constant 1 : i32
    %dma_wait3A_74 = arith.constant 1 : i32
    %dma_wait3A_75 = arith.constant 0 : i32
    %dma_wait3A_76 = arith.constant 0 : i32
    %dma_wait3A_77 = tpu.memref_slice %arg11[%dma_wait3A_74, %dma_wait3A_75, %dma_wait3A_76] : memref<4x128x64xf32, #tpu.memory_space<vmem>> -> memref<1x128x64xf32, #tpu.memory_space<vmem>>
    %dma_wait3A_78 = tpu.memref_squeeze %dma_wait3A_77 : memref<1x128x64xf32, #tpu.memory_space<vmem>> -> memref<128x64xf32, #tpu.memory_space<vmem>>
    %dma_wait3A_79 = arith.constant 0 : i32
    %dma_wait3A_80 = tpu.memref_slice %arg9[%dma_wait3A_73, %dma_wait3A_79] : memref<200x128xi32, #tpu.memory_space<vmem>> -> memref<1x128xi32, #tpu.memory_space<vmem>>
    %dma_wait3A_81 = tpu.memref_squeeze %dma_wait3A_80 : memref<1x128xi32, #tpu.memory_space<vmem>> -> memref<128xi32, #tpu.memory_space<vmem>>
    %dma_wait3A_82 = arith.constant 0 : i32
    %dma_wait3A_83 = arith.constant 0 : i32
    %dma_wait3A_84 = tpu.memref_slice %arg12[%dma_wait3A_82, %dma_wait3A_83] : memref<1440x64xf32, #tpu.memory_space<vmem_shared>> -> memref<1440x64xf32, #tpu.memory_space<vmem_shared>>
    tpu.wait_indirect_dma semaphore(%arg14 : memref<!tpu.dma_semaphore, #tpu.memory_space<semaphore_mem>>) src(%dma_wait3A_84 : memref<1440x64xf32, #tpu.memory_space<vmem_shared>>) dst(%dma_wait3A_78 : memref<128x64xf32, #tpu.memory_space<vmem>>)
    %dma_start3A_85 = arith.constant 1 : i32
    %dma_start3A_86 = arith.constant 1 : i32
    %dma_start3A_87 = arith.constant 0 : i32
    %dma_start3A_88 = arith.constant 0 : i32
    %dma_start3A_89 = tpu.memref_slice %arg11[%dma_start3A_86, %dma_start3A_87, %dma_start3A_88] : memref<4x128x64xf32, #tpu.memory_space<vmem>> -> memref<1x128x64xf32, #tpu.memory_space<vmem>>
    %dma_start3A_90 = tpu.memref_squeeze %dma_start3A_89 : memref<1x128x64xf32, #tpu.memory_space<vmem>> -> memref<128x64xf32, #tpu.memory_space<vmem>>
    %dma_start3A_91 = arith.constant 0 : i32
    %dma_start3A_92 = tpu.memref_slice %arg8[%dma_start3A_85, %dma_start3A_91] : memref<200x128xi32, #tpu.memory_space<vmem>> -> memref<1x128xi32, #tpu.memory_space<vmem>>
    %dma_start3A_93 = tpu.memref_squeeze %dma_start3A_92 : memref<1x128xi32, #tpu.memory_space<vmem>> -> memref<128xi32, #tpu.memory_space<vmem>>
    %dma_start3A_94 = arith.constant 0 : i32
    %dma_start3A_95 = arith.constant 0 : i32
    %dma_start3A_96 = tpu.memref_slice %arg5[%dma_start3A_94, %dma_start3A_95] : memref<1000000x64xf32, #tpu.memory_space<hbm>> -> memref<1000000x64xf32, #tpu.memory_space<hbm>>
    tpu.enqueue_indirect_dma source(%dma_start3A_96 : memref<1000000x64xf32, #tpu.memory_space<hbm>>) target(%dma_start3A_90 : memref<128x64xf32, #tpu.memory_space<vmem>>) offsets(%dma_start3A_93 : memref<128xi32, #tpu.memory_space<vmem>>) semaphore(%arg14 : memref<!tpu.dma_semaphore, #tpu.memory_space<semaphore_mem>>) {add = true}
    %dma_start3A_97 = arith.constant 2 : i32
    %dma_start3A_98 = arith.constant 2 : i32
    %dma_start3A_99 = arith.constant 0 : i32
    %dma_start3A_100 = arith.constant 0 : i32
    %dma_start3A_101 = tpu.memref_slice %arg11[%dma_start3A_98, %dma_start3A_99, %dma_start3A_100] : memref<4x128x64xf32, #tpu.memory_space<vmem>> -> memref<1x128x64xf32, #tpu.memory_space<vmem>>
    %dma_start3A_102 = tpu.memref_squeeze %dma_start3A_101 : memref<1x128x64xf32, #tpu.memory_space<vmem>> -> memref<128x64xf32, #tpu.memory_space<vmem>>
    %dma_start3A_103 = arith.constant 0 : i32
    %dma_start3A_104 = tpu.memref_slice %arg9[%dma_start3A_97, %dma_start3A_103] : memref<200x128xi32, #tpu.memory_space<vmem>> -> memref<1x128xi32, #tpu.memory_space<vmem>>
    %dma_start3A_105 = tpu.memref_squeeze %dma_start3A_104 : memref<1x128xi32, #tpu.memory_space<vmem>> -> memref<128xi32, #tpu.memory_space<vmem>>
    %dma_start3A_106 = arith.constant 0 : i32
    %dma_start3A_107 = arith.constant 0 : i32
    %dma_start3A_108 = tpu.memref_slice %arg12[%dma_start3A_106, %dma_start3A_107] : memref<1440x64xf32, #tpu.memory_space<vmem_shared>> -> memref<1440x64xf32, #tpu.memory_space<vmem_shared>>
    tpu.enqueue_indirect_dma source(%dma_start3A_108 : memref<1440x64xf32, #tpu.memory_space<vmem_shared>>) target(%dma_start3A_102 : memref<128x64xf32, #tpu.memory_space<vmem>>) offsets(%dma_start3A_105 : memref<128xi32, #tpu.memory_space<vmem>>) semaphore(%arg15 : memref<!tpu.dma_semaphore, #tpu.memory_space<semaphore_mem>>)
    %dma_wait3A_109 = arith.constant 1 : i32
    %dma_wait3A_110 = arith.constant 1 : i32
    %dma_wait3A_111 = arith.constant 0 : i32
    %dma_wait3A_112 = arith.constant 0 : i32
    %dma_wait3A_113 = tpu.memref_slice %arg11[%dma_wait3A_110, %dma_wait3A_111, %dma_wait3A_112] : memref<4x128x64xf32, #tpu.memory_space<vmem>> -> memref<1x128x64xf32, #tpu.memory_space<vmem>>
    %dma_wait3A_114 = tpu.memref_squeeze %dma_wait3A_113 : memref<1x128x64xf32, #tpu.memory_space<vmem>> -> memref<128x64xf32, #tpu.memory_space<vmem>>
    %dma_wait3A_115 = arith.constant 0 : i32
    %dma_wait3A_116 = tpu.memref_slice %arg8[%dma_wait3A_109, %dma_wait3A_115] : memref<200x128xi32, #tpu.memory_space<vmem>> -> memref<1x128xi32, #tpu.memory_space<vmem>>
    %dma_wait3A_117 = tpu.memref_squeeze %dma_wait3A_116 : memref<1x128xi32, #tpu.memory_space<vmem>> -> memref<128xi32, #tpu.memory_space<vmem>>
    %dma_wait3A_118 = arith.constant 0 : i32
    %dma_wait3A_119 = arith.constant 0 : i32
    %dma_wait3A_120 = tpu.memref_slice %arg5[%dma_wait3A_118, %dma_wait3A_119] : memref<1000000x64xf32, #tpu.memory_space<hbm>> -> memref<1000000x64xf32, #tpu.memory_space<hbm>>
    tpu.wait_indirect_dma semaphore(%arg14 : memref<!tpu.dma_semaphore, #tpu.memory_space<semaphore_mem>>) src(%dma_wait3A_120 : memref<1000000x64xf32, #tpu.memory_space<hbm>>) dst(%dma_wait3A_114 : memref<128x64xf32, #tpu.memory_space<vmem>>)
    %dma_start3A_121 = arith.constant 1 : i32
    %dma_start3A_122 = arith.constant 1 : i32
    %dma_start3A_123 = arith.constant 0 : i32
    %dma_start3A_124 = arith.constant 0 : i32
    %dma_start3A_125 = tpu.memref_slice %arg11[%dma_start3A_121, %dma_start3A_123, %dma_start3A_124] : memref<4x128x64xf32, #tpu.memory_space<vmem>> -> memref<1x128x64xf32, #tpu.memory_space<vmem>>
    %dma_start3A_126 = tpu.memref_squeeze %dma_start3A_125 : memref<1x128x64xf32, #tpu.memory_space<vmem>> -> memref<128x64xf32, #tpu.memory_space<vmem>>
    %dma_start3A_127 = arith.constant 0 : i32
    %dma_start3A_128 = tpu.memref_slice %arg10[%dma_start3A_122, %dma_start3A_127] : memref<200x128xi32, #tpu.memory_space<vmem>> -> memref<1x128xi32, #tpu.memory_space<vmem>>
    %dma_start3A_129 = tpu.memref_squeeze %dma_start3A_128 : memref<1x128xi32, #tpu.memory_space<vmem>> -> memref<128xi32, #tpu.memory_space<vmem>>
    %dma_start3A_130 = arith.constant 0 : i32
    %dma_start3A_131 = arith.constant 0 : i32
    %dma_start3A_132 = tpu.memref_slice %arg7[%dma_start3A_130, %dma_start3A_131] : memref<1835008x64xf32, #tpu.memory_space<hbm>> -> memref<1835008x64xf32, #tpu.memory_space<hbm>>
    tpu.enqueue_indirect_dma source(%dma_start3A_126 : memref<128x64xf32, #tpu.memory_space<vmem>>) target(%dma_start3A_132 : memref<1835008x64xf32, #tpu.memory_space<hbm>>) offsets(%dma_start3A_129 : memref<128xi32, #tpu.memory_space<vmem>>) semaphore(%arg18 : memref<!tpu.dma_semaphore, #tpu.memory_space<semaphore_mem>>)
    %dma_wait3A_133 = arith.constant 2 : i32
    %dma_wait3A_134 = arith.constant 2 : i32
    %dma_wait3A_135 = arith.constant 0 : i32
    %dma_wait3A_136 = arith.constant 0 : i32
    %dma_wait3A_137 = tpu.memref_slice %arg11[%dma_wait3A_134, %dma_wait3A_135, %dma_wait3A_136] : memref<4x128x64xf32, #tpu.memory_space<vmem>> -> memref<1x128x64xf32, #tpu.memory_space<vmem>>
    %dma_wait3A_138 = tpu.memref_squeeze %dma_wait3A_137 : memref<1x128x64xf32, #tpu.memory_space<vmem>> -> memref<128x64xf32, #tpu.memory_space<vmem>>
    %dma_wait3A_139 = arith.constant 0 : i32
    %dma_wait3A_140 = tpu.memref_slice %arg9[%dma_wait3A_133, %dma_wait3A_139] : memref<200x128xi32, #tpu.memory_space<vmem>> -> memref<1x128xi32, #tpu.memory_space<vmem>>
    %dma_wait3A_141 = tpu.memref_squeeze %dma_wait3A_140 : memref<1x128xi32, #tpu.memory_space<vmem>> -> memref<128xi32, #tpu.memory_space<vmem>>
    %dma_wait3A_142 = arith.constant 0 : i32
    %dma_wait3A_143 = arith.constant 0 : i32
    %dma_wait3A_144 = tpu.memref_slice %arg12[%dma_wait3A_142, %dma_wait3A_143] : memref<1440x64xf32, #tpu.memory_space<vmem_shared>> -> memref<1440x64xf32, #tpu.memory_space<vmem_shared>>
    tpu.wait_indirect_dma semaphore(%arg15 : memref<!tpu.dma_semaphore, #tpu.memory_space<semaphore_mem>>) src(%dma_wait3A_144 : memref<1440x64xf32, #tpu.memory_space<vmem_shared>>) dst(%dma_wait3A_138 : memref<128x64xf32, #tpu.memory_space<vmem>>)
    %dma_start3A_145 = arith.constant 2 : i32
    %dma_start3A_146 = arith.constant 2 : i32
    %dma_start3A_147 = arith.constant 0 : i32
    %dma_start3A_148 = arith.constant 0 : i32
    %dma_start3A_149 = tpu.memref_slice %arg11[%dma_start3A_146, %dma_start3A_147, %dma_start3A_148] : memref<4x128x64xf32, #tpu.memory_space<vmem>> -> memref<1x128x64xf32, #tpu.memory_space<vmem>>
    %dma_start3A_150 = tpu.memref_squeeze %dma_start3A_149 : memref<1x128x64xf32, #tpu.memory_space<vmem>> -> memref<128x64xf32, #tpu.memory_space<vmem>>
    %dma_start3A_151 = arith.constant 0 : i32
    %dma_start3A_152 = tpu.memref_slice %arg8[%dma_start3A_145, %dma_start3A_151] : memref<200x128xi32, #tpu.memory_space<vmem>> -> memref<1x128xi32, #tpu.memory_space<vmem>>
    %dma_start3A_153 = tpu.memref_squeeze %dma_start3A_152 : memref<1x128xi32, #tpu.memory_space<vmem>> -> memref<128xi32, #tpu.memory_space<vmem>>
    %dma_start3A_154 = arith.constant 0 : i32
    %dma_start3A_155 = arith.constant 0 : i32
    %dma_start3A_156 = tpu.memref_slice %arg5[%dma_start3A_154, %dma_start3A_155] : memref<1000000x64xf32, #tpu.memory_space<hbm>> -> memref<1000000x64xf32, #tpu.memory_space<hbm>>
    tpu.enqueue_indirect_dma source(%dma_start3A_156 : memref<1000000x64xf32, #tpu.memory_space<hbm>>) target(%dma_start3A_150 : memref<128x64xf32, #tpu.memory_space<vmem>>) offsets(%dma_start3A_153 : memref<128xi32, #tpu.memory_space<vmem>>) semaphore(%arg15 : memref<!tpu.dma_semaphore, #tpu.memory_space<semaphore_mem>>) {add = true}
    %dma_start3A_157 = arith.constant 3 : i32
    %dma_start3A_158 = arith.constant 3 : i32
    %dma_start3A_159 = arith.constant 0 : i32
    %dma_start3A_160 = arith.constant 0 : i32
    %dma_start3A_161 = tpu.memref_slice %arg11[%dma_start3A_158, %dma_start3A_159, %dma_start3A_160] : memref<4x128x64xf32, #tpu.memory_space<vmem>> -> memref<1x128x64xf32, #tpu.memory_space<vmem>>
    %dma_start3A_162 = tpu.memref_squeeze %dma_start3A_161 : memref<1x128x64xf32, #tpu.memory_space<vmem>> -> memref<128x64xf32, #tpu.memory_space<vmem>>
    %dma_start3A_163 = arith.constant 0 : i32
    %dma_start3A_164 = tpu.memref_slice %arg9[%dma_start3A_157, %dma_start3A_163] : memref<200x128xi32, #tpu.memory_space<vmem>> -> memref<1x128xi32, #tpu.memory_space<vmem>>
    %dma_start3A_165 = tpu.memref_squeeze %dma_start3A_164 : memref<1x128xi32, #tpu.memory_space<vmem>> -> memref<128xi32, #tpu.memory_space<vmem>>
    %dma_start3A_166 = arith.constant 0 : i32
    %dma_start3A_167 = arith.constant 0 : i32
    %dma_start3A_168 = tpu.memref_slice %arg12[%dma_start3A_166, %dma_start3A_167] : memref<1440x64xf32, #tpu.memory_space<vmem_shared>> -> memref<1440x64xf32, #tpu.memory_space<vmem_shared>>
    tpu.enqueue_indirect_dma source(%dma_start3A_168 : memref<1440x64xf32, #tpu.memory_space<vmem_shared>>) target(%dma_start3A_162 : memref<128x64xf32, #tpu.memory_space<vmem>>) offsets(%dma_start3A_165 : memref<128xi32, #tpu.memory_space<vmem>>) semaphore(%arg16 : memref<!tpu.dma_semaphore, #tpu.memory_space<semaphore_mem>>)
    %dma_wait3A_169 = arith.constant 2 : i32
    %dma_wait3A_170 = arith.constant 2 : i32
    %dma_wait3A_171 = arith.constant 0 : i32
    %dma_wait3A_172 = arith.constant 0 : i32
    %dma_wait3A_173 = tpu.memref_slice %arg11[%dma_wait3A_170, %dma_wait3A_171, %dma_wait3A_172] : memref<4x128x64xf32, #tpu.memory_space<vmem>> -> memref<1x128x64xf32, #tpu.memory_space<vmem>>
    %dma_wait3A_174 = tpu.memref_squeeze %dma_wait3A_173 : memref<1x128x64xf32, #tpu.memory_space<vmem>> -> memref<128x64xf32, #tpu.memory_space<vmem>>
    %dma_wait3A_175 = arith.constant 0 : i32
    %dma_wait3A_176 = tpu.memref_slice %arg8[%dma_wait3A_169, %dma_wait3A_175] : memref<200x128xi32, #tpu.memory_space<vmem>> -> memref<1x128xi32, #tpu.memory_space<vmem>>
    %dma_wait3A_177 = tpu.memref_squeeze %dma_wait3A_176 : memref<1x128xi32, #tpu.memory_space<vmem>> -> memref<128xi32, #tpu.memory_space<vmem>>
    %dma_wait3A_178 = arith.constant 0 : i32
    %dma_wait3A_179 = arith.constant 0 : i32
    %dma_wait3A_180 = tpu.memref_slice %arg5[%dma_wait3A_178, %dma_wait3A_179] : memref<1000000x64xf32, #tpu.memory_space<hbm>> -> memref<1000000x64xf32, #tpu.memory_space<hbm>>
    tpu.wait_indirect_dma semaphore(%arg15 : memref<!tpu.dma_semaphore, #tpu.memory_space<semaphore_mem>>) src(%dma_wait3A_180 : memref<1000000x64xf32, #tpu.memory_space<hbm>>) dst(%dma_wait3A_174 : memref<128x64xf32, #tpu.memory_space<vmem>>)
    %dma_start3A_181 = arith.constant 2 : i32
    %dma_start3A_182 = arith.constant 2 : i32
    %dma_start3A_183 = arith.constant 0 : i32
    %dma_start3A_184 = arith.constant 0 : i32
    %dma_start3A_185 = tpu.memref_slice %arg11[%dma_start3A_181, %dma_start3A_183, %dma_start3A_184] : memref<4x128x64xf32, #tpu.memory_space<vmem>> -> memref<1x128x64xf32, #tpu.memory_space<vmem>>
    %dma_start3A_186 = tpu.memref_squeeze %dma_start3A_185 : memref<1x128x64xf32, #tpu.memory_space<vmem>> -> memref<128x64xf32, #tpu.memory_space<vmem>>
    %dma_start3A_187 = arith.constant 0 : i32
    %dma_start3A_188 = tpu.memref_slice %arg10[%dma_start3A_182, %dma_start3A_187] : memref<200x128xi32, #tpu.memory_space<vmem>> -> memref<1x128xi32, #tpu.memory_space<vmem>>
    %dma_start3A_189 = tpu.memref_squeeze %dma_start3A_188 : memref<1x128xi32, #tpu.memory_space<vmem>> -> memref<128xi32, #tpu.memory_space<vmem>>
    %dma_start3A_190 = arith.constant 0 : i32
    %dma_start3A_191 = arith.constant 0 : i32
    %dma_start3A_192 = tpu.memref_slice %arg7[%dma_start3A_190, %dma_start3A_191] : memref<1835008x64xf32, #tpu.memory_space<hbm>> -> memref<1835008x64xf32, #tpu.memory_space<hbm>>
    tpu.enqueue_indirect_dma source(%dma_start3A_186 : memref<128x64xf32, #tpu.memory_space<vmem>>) target(%dma_start3A_192 : memref<1835008x64xf32, #tpu.memory_space<hbm>>) offsets(%dma_start3A_189 : memref<128xi32, #tpu.memory_space<vmem>>) semaphore(%arg19 : memref<!tpu.dma_semaphore, #tpu.memory_space<semaphore_mem>>)
    %dma_wait3A_193 = arith.constant 3 : i32
    %dma_wait3A_194 = arith.constant 3 : i32
    %dma_wait3A_195 = arith.constant 0 : i32
    %dma_wait3A_196 = arith.constant 0 : i32
    %dma_wait3A_197 = tpu.memref_slice %arg11[%dma_wait3A_194, %dma_wait3A_195, %dma_wait3A_196] : memref<4x128x64xf32, #tpu.memory_space<vmem>> -> memref<1x128x64xf32, #tpu.memory_space<vmem>>
    %dma_wait3A_198 = tpu.memref_squeeze %dma_wait3A_197 : memref<1x128x64xf32, #tpu.memory_space<vmem>> -> memref<128x64xf32, #tpu.memory_space<vmem>>
    %dma_wait3A_199 = arith.constant 0 : i32
    %dma_wait3A_200 = tpu.memref_slice %arg9[%dma_wait3A_193, %dma_wait3A_199] : memref<200x128xi32, #tpu.memory_space<vmem>> -> memref<1x128xi32, #tpu.memory_space<vmem>>
    %dma_wait3A_201 = tpu.memref_squeeze %dma_wait3A_200 : memref<1x128xi32, #tpu.memory_space<vmem>> -> memref<128xi32, #tpu.memory_space<vmem>>
    %dma_wait3A_202 = arith.constant 0 : i32
    %dma_wait3A_203 = arith.constant 0 : i32
    %dma_wait3A_204 = tpu.memref_slice %arg12[%dma_wait3A_202, %dma_wait3A_203] : memref<1440x64xf32, #tpu.memory_space<vmem_shared>> -> memref<1440x64xf32, #tpu.memory_space<vmem_shared>>
    tpu.wait_indirect_dma semaphore(%arg16 : memref<!tpu.dma_semaphore, #tpu.memory_space<semaphore_mem>>) src(%dma_wait3A_204 : memref<1440x64xf32, #tpu.memory_space<vmem_shared>>) dst(%dma_wait3A_198 : memref<128x64xf32, #tpu.memory_space<vmem>>)
    %dma_start3A_205 = arith.constant 3 : i32
    %dma_start3A_206 = arith.constant 3 : i32
    %dma_start3A_207 = arith.constant 0 : i32
    %dma_start3A_208 = arith.constant 0 : i32
    %dma_start3A_209 = tpu.memref_slice %arg11[%dma_start3A_206, %dma_start3A_207, %dma_start3A_208] : memref<4x128x64xf32, #tpu.memory_space<vmem>> -> memref<1x128x64xf32, #tpu.memory_space<vmem>>
    %dma_start3A_210 = tpu.memref_squeeze %dma_start3A_209 : memref<1x128x64xf32, #tpu.memory_space<vmem>> -> memref<128x64xf32, #tpu.memory_space<vmem>>
    %dma_start3A_211 = arith.constant 0 : i32
    %dma_start3A_212 = tpu.memref_slice %arg8[%dma_start3A_205, %dma_start3A_211] : memref<200x128xi32, #tpu.memory_space<vmem>> -> memref<1x128xi32, #tpu.memory_space<vmem>>
    %dma_start3A_213 = tpu.memref_squeeze %dma_start3A_212 : memref<1x128xi32, #tpu.memory_space<vmem>> -> memref<128xi32, #tpu.memory_space<vmem>>
    %dma_start3A_214 = arith.constant 0 : i32
    %dma_start3A_215 = arith.constant 0 : i32
    %dma_start3A_216 = tpu.memref_slice %arg5[%dma_start3A_214, %dma_start3A_215] : memref<1000000x64xf32, #tpu.memory_space<hbm>> -> memref<1000000x64xf32, #tpu.memory_space<hbm>>
    tpu.enqueue_indirect_dma source(%dma_start3A_216 : memref<1000000x64xf32, #tpu.memory_space<hbm>>) target(%dma_start3A_210 : memref<128x64xf32, #tpu.memory_space<vmem>>) offsets(%dma_start3A_213 : memref<128xi32, #tpu.memory_space<vmem>>) semaphore(%arg16 : memref<!tpu.dma_semaphore, #tpu.memory_space<semaphore_mem>>) {add = true}
    %dma_wait3A_217 = arith.constant 0 : i32
    %dma_wait3A_218 = arith.constant 0 : i32
    %dma_wait3A_219 = arith.constant 0 : i32
    %dma_wait3A_220 = arith.constant 0 : i32
    %dma_wait3A_221 = tpu.memref_slice %arg11[%dma_wait3A_217, %dma_wait3A_219, %dma_wait3A_220] : memref<4x128x64xf32, #tpu.memory_space<vmem>> -> memref<1x128x64xf32, #tpu.memory_space<vmem>>
    %dma_wait3A_222 = tpu.memref_squeeze %dma_wait3A_221 : memref<1x128x64xf32, #tpu.memory_space<vmem>> -> memref<128x64xf32, #tpu.memory_space<vmem>>
    %dma_wait3A_223 = arith.constant 0 : i32
    %dma_wait3A_224 = tpu.memref_slice %arg10[%dma_wait3A_218, %dma_wait3A_223] : memref<200x128xi32, #tpu.memory_space<vmem>> -> memref<1x128xi32, #tpu.memory_space<vmem>>
    %dma_wait3A_225 = tpu.memref_squeeze %dma_wait3A_224 : memref<1x128xi32, #tpu.memory_space<vmem>> -> memref<128xi32, #tpu.memory_space<vmem>>
    %dma_wait3A_226 = arith.constant 0 : i32
    %dma_wait3A_227 = arith.constant 0 : i32
    %dma_wait3A_228 = tpu.memref_slice %arg7[%dma_wait3A_226, %dma_wait3A_227] : memref<1835008x64xf32, #tpu.memory_space<hbm>> -> memref<1835008x64xf32, #tpu.memory_space<hbm>>
    tpu.wait_indirect_dma semaphore(%arg17 : memref<!tpu.dma_semaphore, #tpu.memory_space<semaphore_mem>>) src(%dma_wait3A_222 : memref<128x64xf32, #tpu.memory_space<vmem>>) dst(%dma_wait3A_228 : memref<1835008x64xf32, #tpu.memory_space<hbm>>)
    %dma_start3A_229 = arith.constant 4 : i32
    %dma_start3A_230 = arith.constant 0 : i32
    %dma_start3A_231 = arith.constant 0 : i32
    %dma_start3A_232 = arith.constant 0 : i32
    %dma_start3A_233 = tpu.memref_slice %arg11[%dma_start3A_230, %dma_start3A_231, %dma_start3A_232] : memref<4x128x64xf32, #tpu.memory_space<vmem>> -> memref<1x128x64xf32, #tpu.memory_space<vmem>>
    %dma_start3A_234 = tpu.memref_squeeze %dma_start3A_233 : memref<1x128x64xf32, #tpu.memory_space<vmem>> -> memref<128x64xf32, #tpu.memory_space<vmem>>
    %dma_start3A_235 = arith.constant 0 : i32
    %dma_start3A_236 = tpu.memref_slice %arg9[%dma_start3A_229, %dma_start3A_235] : memref<200x128xi32, #tpu.memory_space<vmem>> -> memref<1x128xi32, #tpu.memory_space<vmem>>
    %dma_start3A_237 = tpu.memref_squeeze %dma_start3A_236 : memref<1x128xi32, #tpu.memory_space<vmem>> -> memref<128xi32, #tpu.memory_space<vmem>>
    %dma_start3A_238 = arith.constant 0 : i32
    %dma_start3A_239 = arith.constant 0 : i32
    %dma_start3A_240 = tpu.memref_slice %arg12[%dma_start3A_238, %dma_start3A_239] : memref<1440x64xf32, #tpu.memory_space<vmem_shared>> -> memref<1440x64xf32, #tpu.memory_space<vmem_shared>>
    tpu.enqueue_indirect_dma source(%dma_start3A_240 : memref<1440x64xf32, #tpu.memory_space<vmem_shared>>) target(%dma_start3A_234 : memref<128x64xf32, #tpu.memory_space<vmem>>) offsets(%dma_start3A_237 : memref<128xi32, #tpu.memory_space<vmem>>) semaphore(%arg13 : memref<!tpu.dma_semaphore, #tpu.memory_space<semaphore_mem>>)
    %dma_wait3A_241 = arith.constant 3 : i32
    %dma_wait3A_242 = arith.constant 3 : i32
    %dma_wait3A_243 = arith.constant 0 : i32
    %dma_wait3A_244 = arith.constant 0 : i32
    %dma_wait3A_245 = tpu.memref_slice %arg11[%dma_wait3A_242, %dma_wait3A_243, %dma_wait3A_244] : memref<4x128x64xf32, #tpu.memory_space<vmem>> -> memref<1x128x64xf32, #tpu.memory_space<vmem>>
    %dma_wait3A_246 = tpu.memref_squeeze %dma_wait3A_245 : memref<1x128x64xf32, #tpu.memory_space<vmem>> -> memref<128x64xf32, #tpu.memory_space<vmem>>
    %dma_wait3A_247 = arith.constant 0 : i32
    %dma_wait3A_248 = tpu.memref_slice %arg8[%dma_wait3A_241, %dma_wait3A_247] : memref<200x128xi32, #tpu.memory_space<vmem>> -> memref<1x128xi32, #tpu.memory_space<vmem>>
    %dma_wait3A_249 = tpu.memref_squeeze %dma_wait3A_248 : memref<1x128xi32, #tpu.memory_space<vmem>> -> memref<128xi32, #tpu.memory_space<vmem>>
    %dma_wait3A_250 = arith.constant 0 : i32
    %dma_wait3A_251 = arith.constant 0 : i32
    %dma_wait3A_252 = tpu.memref_slice %arg5[%dma_wait3A_250, %dma_wait3A_251] : memref<1000000x64xf32, #tpu.memory_space<hbm>> -> memref<1000000x64xf32, #tpu.memory_space<hbm>>
    tpu.wait_indirect_dma semaphore(%arg16 : memref<!tpu.dma_semaphore, #tpu.memory_space<semaphore_mem>>) src(%dma_wait3A_252 : memref<1000000x64xf32, #tpu.memory_space<hbm>>) dst(%dma_wait3A_246 : memref<128x64xf32, #tpu.memory_space<vmem>>)
    %dma_start3A_253 = arith.constant 3 : i32
    %dma_start3A_254 = arith.constant 3 : i32
    %dma_start3A_255 = arith.constant 0 : i32
    %dma_start3A_256 = arith.constant 0 : i32
    %dma_start3A_257 = tpu.memref_slice %arg11[%dma_start3A_253, %dma_start3A_255, %dma_start3A_256] : memref<4x128x64xf32, #tpu.memory_space<vmem>> -> memref<1x128x64xf32, #tpu.memory_space<vmem>>
    %dma_start3A_258 = tpu.memref_squeeze %dma_start3A_257 : memref<1x128x64xf32, #tpu.memory_space<vmem>> -> memref<128x64xf32, #tpu.memory_space<vmem>>
    %dma_start3A_259 = arith.constant 0 : i32
    %dma_start3A_260 = tpu.memref_slice %arg10[%dma_start3A_254, %dma_start3A_259] : memref<200x128xi32, #tpu.memory_space<vmem>> -> memref<1x128xi32, #tpu.memory_space<vmem>>
    %dma_start3A_261 = tpu.memref_squeeze %dma_start3A_260 : memref<1x128xi32, #tpu.memory_space<vmem>> -> memref<128xi32, #tpu.memory_space<vmem>>
    %dma_start3A_262 = arith.constant 0 : i32
    %dma_start3A_263 = arith.constant 0 : i32
    %dma_start3A_264 = tpu.memref_slice %arg7[%dma_start3A_262, %dma_start3A_263] : memref<1835008x64xf32, #tpu.memory_space<hbm>> -> memref<1835008x64xf32, #tpu.memory_space<hbm>>
    tpu.enqueue_indirect_dma source(%dma_start3A_258 : memref<128x64xf32, #tpu.memory_space<vmem>>) target(%dma_start3A_264 : memref<1835008x64xf32, #tpu.memory_space<hbm>>) offsets(%dma_start3A_261 : memref<128xi32, #tpu.memory_space<vmem>>) semaphore(%arg20 : memref<!tpu.dma_semaphore, #tpu.memory_space<semaphore_mem>>)
    %dma_wait3A_265 = arith.constant 4 : i32
    %dma_wait3A_266 = arith.constant 0 : i32
    %dma_wait3A_267 = arith.constant 0 : i32
    %dma_wait3A_268 = arith.constant 0 : i32
    %dma_wait3A_269 = tpu.memref_slice %arg11[%dma_wait3A_266, %dma_wait3A_267, %dma_wait3A_268] : memref<4x128x64xf32, #tpu.memory_space<vmem>> -> memref<1x128x64xf32, #tpu.memory_space<vmem>>
    %dma_wait3A_270 = tpu.memref_squeeze %dma_wait3A_269 : memref<1x128x64xf32, #tpu.memory_space<vmem>> -> memref<128x64xf32, #tpu.memory_space<vmem>>
    %dma_wait3A_271 = arith.constant 0 : i32
    %dma_wait3A_272 = tpu.memref_slice %arg9[%dma_wait3A_265, %dma_wait3A_271] : memref<200x128xi32, #tpu.memory_space<vmem>> -> memref<1x128xi32, #tpu.memory_space<vmem>>
    %dma_wait3A_273 = tpu.memref_squeeze %dma_wait3A_272 : memref<1x128xi32, #tpu.memory_space<vmem>> -> memref<128xi32, #tpu.memory_space<vmem>>
    %dma_wait3A_274 = arith.constant 0 : i32
    %dma_wait3A_275 = arith.constant 0 : i32
    %dma_wait3A_276 = tpu.memref_slice %arg12[%dma_wait3A_274, %dma_wait3A_275] : memref<1440x64xf32, #tpu.memory_space<vmem_shared>> -> memref<1440x64xf32, #tpu.memory_space<vmem_shared>>
    tpu.wait_indirect_dma semaphore(%arg13 : memref<!tpu.dma_semaphore, #tpu.memory_space<semaphore_mem>>) src(%dma_wait3A_276 : memref<1440x64xf32, #tpu.memory_space<vmem_shared>>) dst(%dma_wait3A_270 : memref<128x64xf32, #tpu.memory_space<vmem>>)
    %dma_start3A_277 = arith.constant 4 : i32
    %dma_start3A_278 = arith.constant 0 : i32
    %dma_start3A_279 = arith.constant 0 : i32
    %dma_start3A_280 = arith.constant 0 : i32
    %dma_start3A_281 = tpu.memref_slice %arg11[%dma_start3A_278, %dma_start3A_279, %dma_start3A_280] : memref<4x128x64xf32, #tpu.memory_space<vmem>> -> memref<1x128x64xf32, #tpu.memory_space<vmem>>
    %dma_start3A_282 = tpu.memref_squeeze %dma_start3A_281 : memref<1x128x64xf32, #tpu.memory_space<vmem>> -> memref<128x64xf32, #tpu.memory_space<vmem>>
    %dma_start3A_283 = arith.constant 0 : i32
    %dma_start3A_284 = tpu.memref_slice %arg8[%dma_start3A_277, %dma_start3A_283] : memref<200x128xi32, #tpu.memory_space<vmem>> -> memref<1x128xi32, #tpu.memory_space<vmem>>
    %dma_start3A_285 = tpu.memref_squeeze %dma_start3A_284 : memref<1x128xi32, #tpu.memory_space<vmem>> -> memref<128xi32, #tpu.memory_space<vmem>>
    %dma_start3A_286 = arith.constant 0 : i32
    %dma_start3A_287 = arith.constant 0 : i32
    %dma_start3A_288 = tpu.memref_slice %arg5[%dma_start3A_286, %dma_start3A_287] : memref<1000000x64xf32, #tpu.memory_space<hbm>> -> memref<1000000x64xf32, #tpu.memory_space<hbm>>
    tpu.enqueue_indirect_dma source(%dma_start3A_288 : memref<1000000x64xf32, #tpu.memory_space<hbm>>) target(%dma_start3A_282 : memref<128x64xf32, #tpu.memory_space<vmem>>) offsets(%dma_start3A_285 : memref<128xi32, #tpu.memory_space<vmem>>) semaphore(%arg13 : memref<!tpu.dma_semaphore, #tpu.memory_space<semaphore_mem>>) {add = true}
    %dma_wait3A_289 = arith.constant 1 : i32
    %dma_wait3A_290 = arith.constant 1 : i32
    %dma_wait3A_291 = arith.constant 0 : i32
    %dma_wait3A_292 = arith.constant 0 : i32
    %dma_wait3A_293 = tpu.memref_slice %arg11[%dma_wait3A_289, %dma_wait3A_291, %dma_wait3A_292] : memref<4x128x64xf32, #tpu.memory_space<vmem>> -> memref<1x128x64xf32, #tpu.memory_space<vmem>>
    %dma_wait3A_294 = tpu.memref_squeeze %dma_wait3A_293 : memref<1x128x64xf32, #tpu.memory_space<vmem>> -> memref<128x64xf32, #tpu.memory_space<vmem>>
    %dma_wait3A_295 = arith.constant 0 : i32
    %dma_wait3A_296 = tpu.memref_slice %arg10[%dma_wait3A_290, %dma_wait3A_295] : memref<200x128xi32, #tpu.memory_space<vmem>> -> memref<1x128xi32, #tpu.memory_space<vmem>>
    %dma_wait3A_297 = tpu.memref_squeeze %dma_wait3A_296 : memref<1x128xi32, #tpu.memory_space<vmem>> -> memref<128xi32, #tpu.memory_space<vmem>>
    %dma_wait3A_298 = arith.constant 0 : i32
    %dma_wait3A_299 = arith.constant 0 : i32
    %dma_wait3A_300 = tpu.memref_slice %arg7[%dma_wait3A_298, %dma_wait3A_299] : memref<1835008x64xf32, #tpu.memory_space<hbm>> -> memref<1835008x64xf32, #tpu.memory_space<hbm>>
    tpu.wait_indirect_dma semaphore(%arg18 : memref<!tpu.dma_semaphore, #tpu.memory_space<semaphore_mem>>) src(%dma_wait3A_294 : memref<128x64xf32, #tpu.memory_space<vmem>>) dst(%dma_wait3A_300 : memref<1835008x64xf32, #tpu.memory_space<hbm>>)
    %dma_start3A_301 = arith.constant 5 : i32
    %dma_start3A_302 = arith.constant 1 : i32
    %dma_start3A_303 = arith.constant 0 : i32
    %dma_start3A_304 = arith.constant 0 : i32
    %dma_start3A_305 = tpu.memref_slice %arg11[%dma_start3A_302, %dma_start3A_303, %dma_start3A_304] : memref<4x128x64xf32, #tpu.memory_space<vmem>> -> memref<1x128x64xf32, #tpu.memory_space<vmem>>
    %dma_start3A_306 = tpu.memref_squeeze %dma_start3A_305 : memref<1x128x64xf32, #tpu.memory_space<vmem>> -> memref<128x64xf32, #tpu.memory_space<vmem>>
    %dma_start3A_307 = arith.constant 0 : i32
    %dma_start3A_308 = tpu.memref_slice %arg9[%dma_start3A_301, %dma_start3A_307] : memref<200x128xi32, #tpu.memory_space<vmem>> -> memref<1x128xi32, #tpu.memory_space<vmem>>
    %dma_start3A_309 = tpu.memref_squeeze %dma_start3A_308 : memref<1x128xi32, #tpu.memory_space<vmem>> -> memref<128xi32, #tpu.memory_space<vmem>>
    %dma_start3A_310 = arith.constant 0 : i32
    %dma_start3A_311 = arith.constant 0 : i32
    %dma_start3A_312 = tpu.memref_slice %arg12[%dma_start3A_310, %dma_start3A_311] : memref<1440x64xf32, #tpu.memory_space<vmem_shared>> -> memref<1440x64xf32, #tpu.memory_space<vmem_shared>>
    tpu.enqueue_indirect_dma source(%dma_start3A_312 : memref<1440x64xf32, #tpu.memory_space<vmem_shared>>) target(%dma_start3A_306 : memref<128x64xf32, #tpu.memory_space<vmem>>) offsets(%dma_start3A_309 : memref<128xi32, #tpu.memory_space<vmem>>) semaphore(%arg14 : memref<!tpu.dma_semaphore, #tpu.memory_space<semaphore_mem>>)
    %scan3A = arith.constant 0 : i32
    %scan3A_313 = arith.constant 1 : i32
    %scan3A_314 = arith.constant 49 : i32
    %scan3A_315 = arith.addi %scan3A_313, %scan3A_314 : i32
    %scan3A_316 = arith.constant 1 : i32
    scf.for %scan3A_366 = %scan3A_313 to %scan3A_315 step %scan3A_316  : i32 {
      %mul3A_367 = arith.constant 4 : i32
      %mul3A_368 = arith.muli %scan3A_366, %mul3A_367 : i32
      %add3A_369 = arith.constant 0 : i32
      %add3A_370 = arith.addi %mul3A_368, %add3A_369 : i32
      %dma_wait3A_371 = arith.constant 0 : i32
      %dma_wait3A_372 = arith.constant 0 : i32
      %dma_wait3A_373 = arith.constant 0 : i32
      %dma_wait3A_374 = tpu.memref_slice %arg11[%dma_wait3A_371, %dma_wait3A_372, %dma_wait3A_373] : memref<4x128x64xf32, #tpu.memory_space<vmem>> -> memref<1x128x64xf32, #tpu.memory_space<vmem>>
      %dma_wait3A_375 = tpu.memref_squeeze %dma_wait3A_374 : memref<1x128x64xf32, #tpu.memory_space<vmem>> -> memref<128x64xf32, #tpu.memory_space<vmem>>
      %dma_wait3A_376 = arith.constant 0 : i32
      %dma_wait3A_377 = tpu.memref_slice %arg8[%add3A_370, %dma_wait3A_376] : memref<200x128xi32, #tpu.memory_space<vmem>> -> memref<1x128xi32, #tpu.memory_space<vmem>>
      %dma_wait3A_378 = tpu.memref_squeeze %dma_wait3A_377 : memref<1x128xi32, #tpu.memory_space<vmem>> -> memref<128xi32, #tpu.memory_space<vmem>>
      %dma_wait3A_379 = arith.constant 0 : i32
      %dma_wait3A_380 = arith.constant 0 : i32
      %dma_wait3A_381 = tpu.memref_slice %arg5[%dma_wait3A_379, %dma_wait3A_380] : memref<1000000x64xf32, #tpu.memory_space<hbm>> -> memref<1000000x64xf32, #tpu.memory_space<hbm>>
      tpu.wait_indirect_dma semaphore(%arg13 : memref<!tpu.dma_semaphore, #tpu.memory_space<semaphore_mem>>) src(%dma_wait3A_381 : memref<1000000x64xf32, #tpu.memory_space<hbm>>) dst(%dma_wait3A_375 : memref<128x64xf32, #tpu.memory_space<vmem>>)
      %dma_start3A_382 = arith.constant 0 : i32
      %dma_start3A_383 = arith.constant 0 : i32
      %dma_start3A_384 = arith.constant 0 : i32
      %dma_start3A_385 = tpu.memref_slice %arg11[%dma_start3A_382, %dma_start3A_383, %dma_start3A_384] : memref<4x128x64xf32, #tpu.memory_space<vmem>> -> memref<1x128x64xf32, #tpu.memory_space<vmem>>
      %dma_start3A_386 = tpu.memref_squeeze %dma_start3A_385 : memref<1x128x64xf32, #tpu.memory_space<vmem>> -> memref<128x64xf32, #tpu.memory_space<vmem>>
      %dma_start3A_387 = arith.constant 0 : i32
      %dma_start3A_388 = tpu.memref_slice %arg10[%add3A_370, %dma_start3A_387] : memref<200x128xi32, #tpu.memory_space<vmem>> -> memref<1x128xi32, #tpu.memory_space<vmem>>
      %dma_start3A_389 = tpu.memref_squeeze %dma_start3A_388 : memref<1x128xi32, #tpu.memory_space<vmem>> -> memref<128xi32, #tpu.memory_space<vmem>>
      %dma_start3A_390 = arith.constant 0 : i32
      %dma_start3A_391 = arith.constant 0 : i32
      %dma_start3A_392 = tpu.memref_slice %arg7[%dma_start3A_390, %dma_start3A_391] : memref<1835008x64xf32, #tpu.memory_space<hbm>> -> memref<1835008x64xf32, #tpu.memory_space<hbm>>
      tpu.enqueue_indirect_dma source(%dma_start3A_386 : memref<128x64xf32, #tpu.memory_space<vmem>>) target(%dma_start3A_392 : memref<1835008x64xf32, #tpu.memory_space<hbm>>) offsets(%dma_start3A_389 : memref<128xi32, #tpu.memory_space<vmem>>) semaphore(%arg17 : memref<!tpu.dma_semaphore, #tpu.memory_space<semaphore_mem>>)
      %add3A_393 = arith.constant 1 : i32
      %add3A_394 = arith.addi %add3A_370, %add3A_393 : i32
      %lt3A = arith.constant 200 : i32
      %lt3A_395 = arith.cmpi slt, %add3A_394, %lt3A : i32
      %convert_element_type3A_396 = arith.extui %lt3A_395 : i1 to i32
      %cond3A_397 = arith.constant 0 : i32
      %cond3A_398 = arith.cmpi ne, %convert_element_type3A_396, %cond3A_397 : i32
      scf.if %cond3A_398 {
        %add3A_526 = arith.constant 1 : i32
        %add3A_527 = arith.addi %add3A_370, %add3A_526 : i32
        %dma_wait3A_528 = arith.constant 1 : i32
        %dma_wait3A_529 = arith.constant 0 : i32
        %dma_wait3A_530 = arith.constant 0 : i32
        %dma_wait3A_531 = tpu.memref_slice %arg11[%dma_wait3A_528, %dma_wait3A_529, %dma_wait3A_530] : memref<4x128x64xf32, #tpu.memory_space<vmem>> -> memref<1x128x64xf32, #tpu.memory_space<vmem>>
        %dma_wait3A_532 = tpu.memref_squeeze %dma_wait3A_531 : memref<1x128x64xf32, #tpu.memory_space<vmem>> -> memref<128x64xf32, #tpu.memory_space<vmem>>
        %dma_wait3A_533 = arith.constant 0 : i32
        %dma_wait3A_534 = tpu.memref_slice %arg9[%add3A_527, %dma_wait3A_533] : memref<200x128xi32, #tpu.memory_space<vmem>> -> memref<1x128xi32, #tpu.memory_space<vmem>>
        %dma_wait3A_535 = tpu.memref_squeeze %dma_wait3A_534 : memref<1x128xi32, #tpu.memory_space<vmem>> -> memref<128xi32, #tpu.memory_space<vmem>>
        %dma_wait3A_536 = arith.constant 0 : i32
        %dma_wait3A_537 = arith.constant 0 : i32
        %dma_wait3A_538 = tpu.memref_slice %arg12[%dma_wait3A_536, %dma_wait3A_537] : memref<1440x64xf32, #tpu.memory_space<vmem_shared>> -> memref<1440x64xf32, #tpu.memory_space<vmem_shared>>
        tpu.wait_indirect_dma semaphore(%arg14 : memref<!tpu.dma_semaphore, #tpu.memory_space<semaphore_mem>>) src(%dma_wait3A_538 : memref<1440x64xf32, #tpu.memory_space<vmem_shared>>) dst(%dma_wait3A_532 : memref<128x64xf32, #tpu.memory_space<vmem>>)
        %dma_start3A_539 = arith.constant 1 : i32
        %dma_start3A_540 = arith.constant 0 : i32
        %dma_start3A_541 = arith.constant 0 : i32
        %dma_start3A_542 = tpu.memref_slice %arg11[%dma_start3A_539, %dma_start3A_540, %dma_start3A_541] : memref<4x128x64xf32, #tpu.memory_space<vmem>> -> memref<1x128x64xf32, #tpu.memory_space<vmem>>
        %dma_start3A_543 = tpu.memref_squeeze %dma_start3A_542 : memref<1x128x64xf32, #tpu.memory_space<vmem>> -> memref<128x64xf32, #tpu.memory_space<vmem>>
        %dma_start3A_544 = arith.constant 0 : i32
        %dma_start3A_545 = tpu.memref_slice %arg8[%add3A_527, %dma_start3A_544] : memref<200x128xi32, #tpu.memory_space<vmem>> -> memref<1x128xi32, #tpu.memory_space<vmem>>
        %dma_start3A_546 = tpu.memref_squeeze %dma_start3A_545 : memref<1x128xi32, #tpu.memory_space<vmem>> -> memref<128xi32, #tpu.memory_space<vmem>>
        %dma_start3A_547 = arith.constant 0 : i32
        %dma_start3A_548 = arith.constant 0 : i32
        %dma_start3A_549 = tpu.memref_slice %arg5[%dma_start3A_547, %dma_start3A_548] : memref<1000000x64xf32, #tpu.memory_space<hbm>> -> memref<1000000x64xf32, #tpu.memory_space<hbm>>
        tpu.enqueue_indirect_dma source(%dma_start3A_549 : memref<1000000x64xf32, #tpu.memory_space<hbm>>) target(%dma_start3A_543 : memref<128x64xf32, #tpu.memory_space<vmem>>) offsets(%dma_start3A_546 : memref<128xi32, #tpu.memory_space<vmem>>) semaphore(%arg14 : memref<!tpu.dma_semaphore, #tpu.memory_space<semaphore_mem>>) {add = true}
      } else {
      }
      %add3A_399 = arith.constant 2 : i32
      %add3A_400 = arith.addi %add3A_370, %add3A_399 : i32
      %lt3A_401 = arith.constant 200 : i32
      %lt3A_402 = arith.cmpi slt, %add3A_400, %lt3A_401 : i32
      %convert_element_type3A_403 = arith.extui %lt3A_402 : i1 to i32
      %cond3A_404 = arith.constant 0 : i32
      %cond3A_405 = arith.cmpi ne, %convert_element_type3A_403, %cond3A_404 : i32
      scf.if %cond3A_405 {
        %add3A_526 = arith.constant 2 : i32
        %add3A_527 = arith.addi %add3A_370, %add3A_526 : i32
        %sub3A = arith.constant 4 : i32
        %sub3A_528 = arith.subi %add3A_527, %sub3A : i32
        %dma_wait3A_529 = arith.constant 2 : i32
        %dma_wait3A_530 = arith.constant 0 : i32
        %dma_wait3A_531 = arith.constant 0 : i32
        %dma_wait3A_532 = tpu.memref_slice %arg11[%dma_wait3A_529, %dma_wait3A_530, %dma_wait3A_531] : memref<4x128x64xf32, #tpu.memory_space<vmem>> -> memref<1x128x64xf32, #tpu.memory_space<vmem>>
        %dma_wait3A_533 = tpu.memref_squeeze %dma_wait3A_532 : memref<1x128x64xf32, #tpu.memory_space<vmem>> -> memref<128x64xf32, #tpu.memory_space<vmem>>
        %dma_wait3A_534 = arith.constant 0 : i32
        %dma_wait3A_535 = tpu.memref_slice %arg10[%sub3A_528, %dma_wait3A_534] : memref<200x128xi32, #tpu.memory_space<vmem>> -> memref<1x128xi32, #tpu.memory_space<vmem>>
        %dma_wait3A_536 = tpu.memref_squeeze %dma_wait3A_535 : memref<1x128xi32, #tpu.memory_space<vmem>> -> memref<128xi32, #tpu.memory_space<vmem>>
        %dma_wait3A_537 = arith.constant 0 : i32
        %dma_wait3A_538 = arith.constant 0 : i32
        %dma_wait3A_539 = tpu.memref_slice %arg7[%dma_wait3A_537, %dma_wait3A_538] : memref<1835008x64xf32, #tpu.memory_space<hbm>> -> memref<1835008x64xf32, #tpu.memory_space<hbm>>
        tpu.wait_indirect_dma semaphore(%arg19 : memref<!tpu.dma_semaphore, #tpu.memory_space<semaphore_mem>>) src(%dma_wait3A_533 : memref<128x64xf32, #tpu.memory_space<vmem>>) dst(%dma_wait3A_539 : memref<1835008x64xf32, #tpu.memory_space<hbm>>)
        %dma_start3A_540 = arith.constant 2 : i32
        %dma_start3A_541 = arith.constant 0 : i32
        %dma_start3A_542 = arith.constant 0 : i32
        %dma_start3A_543 = tpu.memref_slice %arg11[%dma_start3A_540, %dma_start3A_541, %dma_start3A_542] : memref<4x128x64xf32, #tpu.memory_space<vmem>> -> memref<1x128x64xf32, #tpu.memory_space<vmem>>
        %dma_start3A_544 = tpu.memref_squeeze %dma_start3A_543 : memref<1x128x64xf32, #tpu.memory_space<vmem>> -> memref<128x64xf32, #tpu.memory_space<vmem>>
        %dma_start3A_545 = arith.constant 0 : i32
        %dma_start3A_546 = tpu.memref_slice %arg9[%add3A_527, %dma_start3A_545] : memref<200x128xi32, #tpu.memory_space<vmem>> -> memref<1x128xi32, #tpu.memory_space<vmem>>
        %dma_start3A_547 = tpu.memref_squeeze %dma_start3A_546 : memref<1x128xi32, #tpu.memory_space<vmem>> -> memref<128xi32, #tpu.memory_space<vmem>>
        %dma_start3A_548 = arith.constant 0 : i32
        %dma_start3A_549 = arith.constant 0 : i32
        %dma_start3A_550 = tpu.memref_slice %arg12[%dma_start3A_548, %dma_start3A_549] : memref<1440x64xf32, #tpu.memory_space<vmem_shared>> -> memref<1440x64xf32, #tpu.memory_space<vmem_shared>>
        tpu.enqueue_indirect_dma source(%dma_start3A_550 : memref<1440x64xf32, #tpu.memory_space<vmem_shared>>) target(%dma_start3A_544 : memref<128x64xf32, #tpu.memory_space<vmem>>) offsets(%dma_start3A_547 : memref<128xi32, #tpu.memory_space<vmem>>) semaphore(%arg15 : memref<!tpu.dma_semaphore, #tpu.memory_space<semaphore_mem>>)
      } else {
      }
      %mul3A_406 = arith.constant 4 : i32
      %mul3A_407 = arith.muli %scan3A_366, %mul3A_406 : i32
      %add3A_408 = arith.constant 1 : i32
      %add3A_409 = arith.addi %mul3A_407, %add3A_408 : i32
      %dma_wait3A_410 = arith.constant 1 : i32
      %dma_wait3A_411 = arith.constant 0 : i32
      %dma_wait3A_412 = arith.constant 0 : i32
      %dma_wait3A_413 = tpu.memref_slice %arg11[%dma_wait3A_410, %dma_wait3A_411, %dma_wait3A_412] : memref<4x128x64xf32, #tpu.memory_space<vmem>> -> memref<1x128x64xf32, #tpu.memory_space<vmem>>
      %dma_wait3A_414 = tpu.memref_squeeze %dma_wait3A_413 : memref<1x128x64xf32, #tpu.memory_space<vmem>> -> memref<128x64xf32, #tpu.memory_space<vmem>>
      %dma_wait3A_415 = arith.constant 0 : i32
      %dma_wait3A_416 = tpu.memref_slice %arg8[%add3A_409, %dma_wait3A_415] : memref<200x128xi32, #tpu.memory_space<vmem>> -> memref<1x128xi32, #tpu.memory_space<vmem>>
      %dma_wait3A_417 = tpu.memref_squeeze %dma_wait3A_416 : memref<1x128xi32, #tpu.memory_space<vmem>> -> memref<128xi32, #tpu.memory_space<vmem>>
      %dma_wait3A_418 = arith.constant 0 : i32
      %dma_wait3A_419 = arith.constant 0 : i32
      %dma_wait3A_420 = tpu.memref_slice %arg5[%dma_wait3A_418, %dma_wait3A_419] : memref<1000000x64xf32, #tpu.memory_space<hbm>> -> memref<1000000x64xf32, #tpu.memory_space<hbm>>
      tpu.wait_indirect_dma semaphore(%arg14 : memref<!tpu.dma_semaphore, #tpu.memory_space<semaphore_mem>>) src(%dma_wait3A_420 : memref<1000000x64xf32, #tpu.memory_space<hbm>>) dst(%dma_wait3A_414 : memref<128x64xf32, #tpu.memory_space<vmem>>)
      %dma_start3A_421 = arith.constant 1 : i32
      %dma_start3A_422 = arith.constant 0 : i32
      %dma_start3A_423 = arith.constant 0 : i32
      %dma_start3A_424 = tpu.memref_slice %arg11[%dma_start3A_421, %dma_start3A_422, %dma_start3A_423] : memref<4x128x64xf32, #tpu.memory_space<vmem>> -> memref<1x128x64xf32, #tpu.memory_space<vmem>>
      %dma_start3A_425 = tpu.memref_squeeze %dma_start3A_424 : memref<1x128x64xf32, #tpu.memory_space<vmem>> -> memref<128x64xf32, #tpu.memory_space<vmem>>
      %dma_start3A_426 = arith.constant 0 : i32
      %dma_start3A_427 = tpu.memref_slice %arg10[%add3A_409, %dma_start3A_426] : memref<200x128xi32, #tpu.memory_space<vmem>> -> memref<1x128xi32, #tpu.memory_space<vmem>>
      %dma_start3A_428 = tpu.memref_squeeze %dma_start3A_427 : memref<1x128xi32, #tpu.memory_space<vmem>> -> memref<128xi32, #tpu.memory_space<vmem>>
      %dma_start3A_429 = arith.constant 0 : i32
      %dma_start3A_430 = arith.constant 0 : i32
      %dma_start3A_431 = tpu.memref_slice %arg7[%dma_start3A_429, %dma_start3A_430] : memref<1835008x64xf32, #tpu.memory_space<hbm>> -> memref<1835008x64xf32, #tpu.memory_space<hbm>>
      tpu.enqueue_indirect_dma source(%dma_start3A_425 : memref<128x64xf32, #tpu.memory_space<vmem>>) target(%dma_start3A_431 : memref<1835008x64xf32, #tpu.memory_space<hbm>>) offsets(%dma_start3A_428 : memref<128xi32, #tpu.memory_space<vmem>>) semaphore(%arg18 : memref<!tpu.dma_semaphore, #tpu.memory_space<semaphore_mem>>)
      %add3A_432 = arith.constant 1 : i32
      %add3A_433 = arith.addi %add3A_409, %add3A_432 : i32
      %lt3A_434 = arith.constant 200 : i32
      %lt3A_435 = arith.cmpi slt, %add3A_433, %lt3A_434 : i32
      %convert_element_type3A_436 = arith.extui %lt3A_435 : i1 to i32
      %cond3A_437 = arith.constant 0 : i32
      %cond3A_438 = arith.cmpi ne, %convert_element_type3A_436, %cond3A_437 : i32
      scf.if %cond3A_438 {
        %add3A_526 = arith.constant 1 : i32
        %add3A_527 = arith.addi %add3A_409, %add3A_526 : i32
        %dma_wait3A_528 = arith.constant 2 : i32
        %dma_wait3A_529 = arith.constant 0 : i32
        %dma_wait3A_530 = arith.constant 0 : i32
        %dma_wait3A_531 = tpu.memref_slice %arg11[%dma_wait3A_528, %dma_wait3A_529, %dma_wait3A_530] : memref<4x128x64xf32, #tpu.memory_space<vmem>> -> memref<1x128x64xf32, #tpu.memory_space<vmem>>
        %dma_wait3A_532 = tpu.memref_squeeze %dma_wait3A_531 : memref<1x128x64xf32, #tpu.memory_space<vmem>> -> memref<128x64xf32, #tpu.memory_space<vmem>>
        %dma_wait3A_533 = arith.constant 0 : i32
        %dma_wait3A_534 = tpu.memref_slice %arg9[%add3A_527, %dma_wait3A_533] : memref<200x128xi32, #tpu.memory_space<vmem>> -> memref<1x128xi32, #tpu.memory_space<vmem>>
        %dma_wait3A_535 = tpu.memref_squeeze %dma_wait3A_534 : memref<1x128xi32, #tpu.memory_space<vmem>> -> memref<128xi32, #tpu.memory_space<vmem>>
        %dma_wait3A_536 = arith.constant 0 : i32
        %dma_wait3A_537 = arith.constant 0 : i32
        %dma_wait3A_538 = tpu.memref_slice %arg12[%dma_wait3A_536, %dma_wait3A_537] : memref<1440x64xf32, #tpu.memory_space<vmem_shared>> -> memref<1440x64xf32, #tpu.memory_space<vmem_shared>>
        tpu.wait_indirect_dma semaphore(%arg15 : memref<!tpu.dma_semaphore, #tpu.memory_space<semaphore_mem>>) src(%dma_wait3A_538 : memref<1440x64xf32, #tpu.memory_space<vmem_shared>>) dst(%dma_wait3A_532 : memref<128x64xf32, #tpu.memory_space<vmem>>)
        %dma_start3A_539 = arith.constant 2 : i32
        %dma_start3A_540 = arith.constant 0 : i32
        %dma_start3A_541 = arith.constant 0 : i32
        %dma_start3A_542 = tpu.memref_slice %arg11[%dma_start3A_539, %dma_start3A_540, %dma_start3A_541] : memref<4x128x64xf32, #tpu.memory_space<vmem>> -> memref<1x128x64xf32, #tpu.memory_space<vmem>>
        %dma_start3A_543 = tpu.memref_squeeze %dma_start3A_542 : memref<1x128x64xf32, #tpu.memory_space<vmem>> -> memref<128x64xf32, #tpu.memory_space<vmem>>
        %dma_start3A_544 = arith.constant 0 : i32
        %dma_start3A_545 = tpu.memref_slice %arg8[%add3A_527, %dma_start3A_544] : memref<200x128xi32, #tpu.memory_space<vmem>> -> memref<1x128xi32, #tpu.memory_space<vmem>>
        %dma_start3A_546 = tpu.memref_squeeze %dma_start3A_545 : memref<1x128xi32, #tpu.memory_space<vmem>> -> memref<128xi32, #tpu.memory_space<vmem>>
        %dma_start3A_547 = arith.constant 0 : i32
        %dma_start3A_548 = arith.constant 0 : i32
        %dma_start3A_549 = tpu.memref_slice %arg5[%dma_start3A_547, %dma_start3A_548] : memref<1000000x64xf32, #tpu.memory_space<hbm>> -> memref<1000000x64xf32, #tpu.memory_space<hbm>>
        tpu.enqueue_indirect_dma source(%dma_start3A_549 : memref<1000000x64xf32, #tpu.memory_space<hbm>>) target(%dma_start3A_543 : memref<128x64xf32, #tpu.memory_space<vmem>>) offsets(%dma_start3A_546 : memref<128xi32, #tpu.memory_space<vmem>>) semaphore(%arg15 : memref<!tpu.dma_semaphore, #tpu.memory_space<semaphore_mem>>) {add = true}
      } else {
      }
      %add3A_439 = arith.constant 2 : i32
      %add3A_440 = arith.addi %add3A_409, %add3A_439 : i32
      %lt3A_441 = arith.constant 200 : i32
      %lt3A_442 = arith.cmpi slt, %add3A_440, %lt3A_441 : i32
      %convert_element_type3A_443 = arith.extui %lt3A_442 : i1 to i32
      %cond3A_444 = arith.constant 0 : i32
      %cond3A_445 = arith.cmpi ne, %convert_element_type3A_443, %cond3A_444 : i32
      scf.if %cond3A_445 {
        %add3A_526 = arith.constant 2 : i32
        %add3A_527 = arith.addi %add3A_409, %add3A_526 : i32
        %sub3A = arith.constant 4 : i32
        %sub3A_528 = arith.subi %add3A_527, %sub3A : i32
        %dma_wait3A_529 = arith.constant 3 : i32
        %dma_wait3A_530 = arith.constant 0 : i32
        %dma_wait3A_531 = arith.constant 0 : i32
        %dma_wait3A_532 = tpu.memref_slice %arg11[%dma_wait3A_529, %dma_wait3A_530, %dma_wait3A_531] : memref<4x128x64xf32, #tpu.memory_space<vmem>> -> memref<1x128x64xf32, #tpu.memory_space<vmem>>
        %dma_wait3A_533 = tpu.memref_squeeze %dma_wait3A_532 : memref<1x128x64xf32, #tpu.memory_space<vmem>> -> memref<128x64xf32, #tpu.memory_space<vmem>>
        %dma_wait3A_534 = arith.constant 0 : i32
        %dma_wait3A_535 = tpu.memref_slice %arg10[%sub3A_528, %dma_wait3A_534] : memref<200x128xi32, #tpu.memory_space<vmem>> -> memref<1x128xi32, #tpu.memory_space<vmem>>
        %dma_wait3A_536 = tpu.memref_squeeze %dma_wait3A_535 : memref<1x128xi32, #tpu.memory_space<vmem>> -> memref<128xi32, #tpu.memory_space<vmem>>
        %dma_wait3A_537 = arith.constant 0 : i32
        %dma_wait3A_538 = arith.constant 0 : i32
        %dma_wait3A_539 = tpu.memref_slice %arg7[%dma_wait3A_537, %dma_wait3A_538] : memref<1835008x64xf32, #tpu.memory_space<hbm>> -> memref<1835008x64xf32, #tpu.memory_space<hbm>>
        tpu.wait_indirect_dma semaphore(%arg20 : memref<!tpu.dma_semaphore, #tpu.memory_space<semaphore_mem>>) src(%dma_wait3A_533 : memref<128x64xf32, #tpu.memory_space<vmem>>) dst(%dma_wait3A_539 : memref<1835008x64xf32, #tpu.memory_space<hbm>>)
        %dma_start3A_540 = arith.constant 3 : i32
        %dma_start3A_541 = arith.constant 0 : i32
        %dma_start3A_542 = arith.constant 0 : i32
        %dma_start3A_543 = tpu.memref_slice %arg11[%dma_start3A_540, %dma_start3A_541, %dma_start3A_542] : memref<4x128x64xf32, #tpu.memory_space<vmem>> -> memref<1x128x64xf32, #tpu.memory_space<vmem>>
        %dma_start3A_544 = tpu.memref_squeeze %dma_start3A_543 : memref<1x128x64xf32, #tpu.memory_space<vmem>> -> memref<128x64xf32, #tpu.memory_space<vmem>>
        %dma_start3A_545 = arith.constant 0 : i32
        %dma_start3A_546 = tpu.memref_slice %arg9[%add3A_527, %dma_start3A_545] : memref<200x128xi32, #tpu.memory_space<vmem>> -> memref<1x128xi32, #tpu.memory_space<vmem>>
        %dma_start3A_547 = tpu.memref_squeeze %dma_start3A_546 : memref<1x128xi32, #tpu.memory_space<vmem>> -> memref<128xi32, #tpu.memory_space<vmem>>
        %dma_start3A_548 = arith.constant 0 : i32
        %dma_start3A_549 = arith.constant 0 : i32
        %dma_start3A_550 = tpu.memref_slice %arg12[%dma_start3A_548, %dma_start3A_549] : memref<1440x64xf32, #tpu.memory_space<vmem_shared>> -> memref<1440x64xf32, #tpu.memory_space<vmem_shared>>
        tpu.enqueue_indirect_dma source(%dma_start3A_550 : memref<1440x64xf32, #tpu.memory_space<vmem_shared>>) target(%dma_start3A_544 : memref<128x64xf32, #tpu.memory_space<vmem>>) offsets(%dma_start3A_547 : memref<128xi32, #tpu.memory_space<vmem>>) semaphore(%arg16 : memref<!tpu.dma_semaphore, #tpu.memory_space<semaphore_mem>>)
      } else {
      }
      %mul3A_446 = arith.constant 4 : i32
      %mul3A_447 = arith.muli %scan3A_366, %mul3A_446 : i32
      %add3A_448 = arith.constant 2 : i32
      %add3A_449 = arith.addi %mul3A_447, %add3A_448 : i32
      %dma_wait3A_450 = arith.constant 2 : i32
      %dma_wait3A_451 = arith.constant 0 : i32
      %dma_wait3A_452 = arith.constant 0 : i32
      %dma_wait3A_453 = tpu.memref_slice %arg11[%dma_wait3A_450, %dma_wait3A_451, %dma_wait3A_452] : memref<4x128x64xf32, #tpu.memory_space<vmem>> -> memref<1x128x64xf32, #tpu.memory_space<vmem>>
      %dma_wait3A_454 = tpu.memref_squeeze %dma_wait3A_453 : memref<1x128x64xf32, #tpu.memory_space<vmem>> -> memref<128x64xf32, #tpu.memory_space<vmem>>
      %dma_wait3A_455 = arith.constant 0 : i32
      %dma_wait3A_456 = tpu.memref_slice %arg8[%add3A_449, %dma_wait3A_455] : memref<200x128xi32, #tpu.memory_space<vmem>> -> memref<1x128xi32, #tpu.memory_space<vmem>>
      %dma_wait3A_457 = tpu.memref_squeeze %dma_wait3A_456 : memref<1x128xi32, #tpu.memory_space<vmem>> -> memref<128xi32, #tpu.memory_space<vmem>>
      %dma_wait3A_458 = arith.constant 0 : i32
      %dma_wait3A_459 = arith.constant 0 : i32
      %dma_wait3A_460 = tpu.memref_slice %arg5[%dma_wait3A_458, %dma_wait3A_459] : memref<1000000x64xf32, #tpu.memory_space<hbm>> -> memref<1000000x64xf32, #tpu.memory_space<hbm>>
      tpu.wait_indirect_dma semaphore(%arg15 : memref<!tpu.dma_semaphore, #tpu.memory_space<semaphore_mem>>) src(%dma_wait3A_460 : memref<1000000x64xf32, #tpu.memory_space<hbm>>) dst(%dma_wait3A_454 : memref<128x64xf32, #tpu.memory_space<vmem>>)
      %dma_start3A_461 = arith.constant 2 : i32
      %dma_start3A_462 = arith.constant 0 : i32
      %dma_start3A_463 = arith.constant 0 : i32
      %dma_start3A_464 = tpu.memref_slice %arg11[%dma_start3A_461, %dma_start3A_462, %dma_start3A_463] : memref<4x128x64xf32, #tpu.memory_space<vmem>> -> memref<1x128x64xf32, #tpu.memory_space<vmem>>
      %dma_start3A_465 = tpu.memref_squeeze %dma_start3A_464 : memref<1x128x64xf32, #tpu.memory_space<vmem>> -> memref<128x64xf32, #tpu.memory_space<vmem>>
      %dma_start3A_466 = arith.constant 0 : i32
      %dma_start3A_467 = tpu.memref_slice %arg10[%add3A_449, %dma_start3A_466] : memref<200x128xi32, #tpu.memory_space<vmem>> -> memref<1x128xi32, #tpu.memory_space<vmem>>
      %dma_start3A_468 = tpu.memref_squeeze %dma_start3A_467 : memref<1x128xi32, #tpu.memory_space<vmem>> -> memref<128xi32, #tpu.memory_space<vmem>>
      %dma_start3A_469 = arith.constant 0 : i32
      %dma_start3A_470 = arith.constant 0 : i32
      %dma_start3A_471 = tpu.memref_slice %arg7[%dma_start3A_469, %dma_start3A_470] : memref<1835008x64xf32, #tpu.memory_space<hbm>> -> memref<1835008x64xf32, #tpu.memory_space<hbm>>
      tpu.enqueue_indirect_dma source(%dma_start3A_465 : memref<128x64xf32, #tpu.memory_space<vmem>>) target(%dma_start3A_471 : memref<1835008x64xf32, #tpu.memory_space<hbm>>) offsets(%dma_start3A_468 : memref<128xi32, #tpu.memory_space<vmem>>) semaphore(%arg19 : memref<!tpu.dma_semaphore, #tpu.memory_space<semaphore_mem>>)
      %add3A_472 = arith.constant 1 : i32
      %add3A_473 = arith.addi %add3A_449, %add3A_472 : i32
      %lt3A_474 = arith.constant 200 : i32
      %lt3A_475 = arith.cmpi slt, %add3A_473, %lt3A_474 : i32
      %convert_element_type3A_476 = arith.extui %lt3A_475 : i1 to i32
      %cond3A_477 = arith.constant 0 : i32
      %cond3A_478 = arith.cmpi ne, %convert_element_type3A_476, %cond3A_477 : i32
      scf.if %cond3A_478 {
        %add3A_526 = arith.constant 1 : i32
        %add3A_527 = arith.addi %add3A_449, %add3A_526 : i32
        %dma_wait3A_528 = arith.constant 3 : i32
        %dma_wait3A_529 = arith.constant 0 : i32
        %dma_wait3A_530 = arith.constant 0 : i32
        %dma_wait3A_531 = tpu.memref_slice %arg11[%dma_wait3A_528, %dma_wait3A_529, %dma_wait3A_530] : memref<4x128x64xf32, #tpu.memory_space<vmem>> -> memref<1x128x64xf32, #tpu.memory_space<vmem>>
        %dma_wait3A_532 = tpu.memref_squeeze %dma_wait3A_531 : memref<1x128x64xf32, #tpu.memory_space<vmem>> -> memref<128x64xf32, #tpu.memory_space<vmem>>
        %dma_wait3A_533 = arith.constant 0 : i32
        %dma_wait3A_534 = tpu.memref_slice %arg9[%add3A_527, %dma_wait3A_533] : memref<200x128xi32, #tpu.memory_space<vmem>> -> memref<1x128xi32, #tpu.memory_space<vmem>>
        %dma_wait3A_535 = tpu.memref_squeeze %dma_wait3A_534 : memref<1x128xi32, #tpu.memory_space<vmem>> -> memref<128xi32, #tpu.memory_space<vmem>>
        %dma_wait3A_536 = arith.constant 0 : i32
        %dma_wait3A_537 = arith.constant 0 : i32
        %dma_wait3A_538 = tpu.memref_slice %arg12[%dma_wait3A_536, %dma_wait3A_537] : memref<1440x64xf32, #tpu.memory_space<vmem_shared>> -> memref<1440x64xf32, #tpu.memory_space<vmem_shared>>
        tpu.wait_indirect_dma semaphore(%arg16 : memref<!tpu.dma_semaphore, #tpu.memory_space<semaphore_mem>>) src(%dma_wait3A_538 : memref<1440x64xf32, #tpu.memory_space<vmem_shared>>) dst(%dma_wait3A_532 : memref<128x64xf32, #tpu.memory_space<vmem>>)
        %dma_start3A_539 = arith.constant 3 : i32
        %dma_start3A_540 = arith.constant 0 : i32
        %dma_start3A_541 = arith.constant 0 : i32
        %dma_start3A_542 = tpu.memref_slice %arg11[%dma_start3A_539, %dma_start3A_540, %dma_start3A_541] : memref<4x128x64xf32, #tpu.memory_space<vmem>> -> memref<1x128x64xf32, #tpu.memory_space<vmem>>
        %dma_start3A_543 = tpu.memref_squeeze %dma_start3A_542 : memref<1x128x64xf32, #tpu.memory_space<vmem>> -> memref<128x64xf32, #tpu.memory_space<vmem>>
        %dma_start3A_544 = arith.constant 0 : i32
        %dma_start3A_545 = tpu.memref_slice %arg8[%add3A_527, %dma_start3A_544] : memref<200x128xi32, #tpu.memory_space<vmem>> -> memref<1x128xi32, #tpu.memory_space<vmem>>
        %dma_start3A_546 = tpu.memref_squeeze %dma_start3A_545 : memref<1x128xi32, #tpu.memory_space<vmem>> -> memref<128xi32, #tpu.memory_space<vmem>>
        %dma_start3A_547 = arith.constant 0 : i32
        %dma_start3A_548 = arith.constant 0 : i32
        %dma_start3A_549 = tpu.memref_slice %arg5[%dma_start3A_547, %dma_start3A_548] : memref<1000000x64xf32, #tpu.memory_space<hbm>> -> memref<1000000x64xf32, #tpu.memory_space<hbm>>
        tpu.enqueue_indirect_dma source(%dma_start3A_549 : memref<1000000x64xf32, #tpu.memory_space<hbm>>) target(%dma_start3A_543 : memref<128x64xf32, #tpu.memory_space<vmem>>) offsets(%dma_start3A_546 : memref<128xi32, #tpu.memory_space<vmem>>) semaphore(%arg16 : memref<!tpu.dma_semaphore, #tpu.memory_space<semaphore_mem>>) {add = true}
      } else {
      }
      %add3A_479 = arith.constant 2 : i32
      %add3A_480 = arith.addi %add3A_449, %add3A_479 : i32
      %lt3A_481 = arith.constant 200 : i32
      %lt3A_482 = arith.cmpi slt, %add3A_480, %lt3A_481 : i32
      %convert_element_type3A_483 = arith.extui %lt3A_482 : i1 to i32
      %cond3A_484 = arith.constant 0 : i32
      %cond3A_485 = arith.cmpi ne, %convert_element_type3A_483, %cond3A_484 : i32
      scf.if %cond3A_485 {
        %add3A_526 = arith.constant 2 : i32
        %add3A_527 = arith.addi %add3A_449, %add3A_526 : i32
        %sub3A = arith.constant 4 : i32
        %sub3A_528 = arith.subi %add3A_527, %sub3A : i32
        %dma_wait3A_529 = arith.constant 0 : i32
        %dma_wait3A_530 = arith.constant 0 : i32
        %dma_wait3A_531 = arith.constant 0 : i32
        %dma_wait3A_532 = tpu.memref_slice %arg11[%dma_wait3A_529, %dma_wait3A_530, %dma_wait3A_531] : memref<4x128x64xf32, #tpu.memory_space<vmem>> -> memref<1x128x64xf32, #tpu.memory_space<vmem>>
        %dma_wait3A_533 = tpu.memref_squeeze %dma_wait3A_532 : memref<1x128x64xf32, #tpu.memory_space<vmem>> -> memref<128x64xf32, #tpu.memory_space<vmem>>
        %dma_wait3A_534 = arith.constant 0 : i32
        %dma_wait3A_535 = tpu.memref_slice %arg10[%sub3A_528, %dma_wait3A_534] : memref<200x128xi32, #tpu.memory_space<vmem>> -> memref<1x128xi32, #tpu.memory_space<vmem>>
        %dma_wait3A_536 = tpu.memref_squeeze %dma_wait3A_535 : memref<1x128xi32, #tpu.memory_space<vmem>> -> memref<128xi32, #tpu.memory_space<vmem>>
        %dma_wait3A_537 = arith.constant 0 : i32
        %dma_wait3A_538 = arith.constant 0 : i32
        %dma_wait3A_539 = tpu.memref_slice %arg7[%dma_wait3A_537, %dma_wait3A_538] : memref<1835008x64xf32, #tpu.memory_space<hbm>> -> memref<1835008x64xf32, #tpu.memory_space<hbm>>
        tpu.wait_indirect_dma semaphore(%arg17 : memref<!tpu.dma_semaphore, #tpu.memory_space<semaphore_mem>>) src(%dma_wait3A_533 : memref<128x64xf32, #tpu.memory_space<vmem>>) dst(%dma_wait3A_539 : memref<1835008x64xf32, #tpu.memory_space<hbm>>)
        %dma_start3A_540 = arith.constant 0 : i32
        %dma_start3A_541 = arith.constant 0 : i32
        %dma_start3A_542 = arith.constant 0 : i32
        %dma_start3A_543 = tpu.memref_slice %arg11[%dma_start3A_540, %dma_start3A_541, %dma_start3A_542] : memref<4x128x64xf32, #tpu.memory_space<vmem>> -> memref<1x128x64xf32, #tpu.memory_space<vmem>>
        %dma_start3A_544 = tpu.memref_squeeze %dma_start3A_543 : memref<1x128x64xf32, #tpu.memory_space<vmem>> -> memref<128x64xf32, #tpu.memory_space<vmem>>
        %dma_start3A_545 = arith.constant 0 : i32
        %dma_start3A_546 = tpu.memref_slice %arg9[%add3A_527, %dma_start3A_545] : memref<200x128xi32, #tpu.memory_space<vmem>> -> memref<1x128xi32, #tpu.memory_space<vmem>>
        %dma_start3A_547 = tpu.memref_squeeze %dma_start3A_546 : memref<1x128xi32, #tpu.memory_space<vmem>> -> memref<128xi32, #tpu.memory_space<vmem>>
        %dma_start3A_548 = arith.constant 0 : i32
        %dma_start3A_549 = arith.constant 0 : i32
        %dma_start3A_550 = tpu.memref_slice %arg12[%dma_start3A_548, %dma_start3A_549] : memref<1440x64xf32, #tpu.memory_space<vmem_shared>> -> memref<1440x64xf32, #tpu.memory_space<vmem_shared>>
        tpu.enqueue_indirect_dma source(%dma_start3A_550 : memref<1440x64xf32, #tpu.memory_space<vmem_shared>>) target(%dma_start3A_544 : memref<128x64xf32, #tpu.memory_space<vmem>>) offsets(%dma_start3A_547 : memref<128xi32, #tpu.memory_space<vmem>>) semaphore(%arg13 : memref<!tpu.dma_semaphore, #tpu.memory_space<semaphore_mem>>)
      } else {
      }
      %mul3A_486 = arith.constant 4 : i32
      %mul3A_487 = arith.muli %scan3A_366, %mul3A_486 : i32
      %add3A_488 = arith.constant 3 : i32
      %add3A_489 = arith.addi %mul3A_487, %add3A_488 : i32
      %dma_wait3A_490 = arith.constant 3 : i32
      %dma_wait3A_491 = arith.constant 0 : i32
      %dma_wait3A_492 = arith.constant 0 : i32
      %dma_wait3A_493 = tpu.memref_slice %arg11[%dma_wait3A_490, %dma_wait3A_491, %dma_wait3A_492] : memref<4x128x64xf32, #tpu.memory_space<vmem>> -> memref<1x128x64xf32, #tpu.memory_space<vmem>>
      %dma_wait3A_494 = tpu.memref_squeeze %dma_wait3A_493 : memref<1x128x64xf32, #tpu.memory_space<vmem>> -> memref<128x64xf32, #tpu.memory_space<vmem>>
      %dma_wait3A_495 = arith.constant 0 : i32
      %dma_wait3A_496 = tpu.memref_slice %arg8[%add3A_489, %dma_wait3A_495] : memref<200x128xi32, #tpu.memory_space<vmem>> -> memref<1x128xi32, #tpu.memory_space<vmem>>
      %dma_wait3A_497 = tpu.memref_squeeze %dma_wait3A_496 : memref<1x128xi32, #tpu.memory_space<vmem>> -> memref<128xi32, #tpu.memory_space<vmem>>
      %dma_wait3A_498 = arith.constant 0 : i32
      %dma_wait3A_499 = arith.constant 0 : i32
      %dma_wait3A_500 = tpu.memref_slice %arg5[%dma_wait3A_498, %dma_wait3A_499] : memref<1000000x64xf32, #tpu.memory_space<hbm>> -> memref<1000000x64xf32, #tpu.memory_space<hbm>>
      tpu.wait_indirect_dma semaphore(%arg16 : memref<!tpu.dma_semaphore, #tpu.memory_space<semaphore_mem>>) src(%dma_wait3A_500 : memref<1000000x64xf32, #tpu.memory_space<hbm>>) dst(%dma_wait3A_494 : memref<128x64xf32, #tpu.memory_space<vmem>>)
      %dma_start3A_501 = arith.constant 3 : i32
      %dma_start3A_502 = arith.constant 0 : i32
      %dma_start3A_503 = arith.constant 0 : i32
      %dma_start3A_504 = tpu.memref_slice %arg11[%dma_start3A_501, %dma_start3A_502, %dma_start3A_503] : memref<4x128x64xf32, #tpu.memory_space<vmem>> -> memref<1x128x64xf32, #tpu.memory_space<vmem>>
      %dma_start3A_505 = tpu.memref_squeeze %dma_start3A_504 : memref<1x128x64xf32, #tpu.memory_space<vmem>> -> memref<128x64xf32, #tpu.memory_space<vmem>>
      %dma_start3A_506 = arith.constant 0 : i32
      %dma_start3A_507 = tpu.memref_slice %arg10[%add3A_489, %dma_start3A_506] : memref<200x128xi32, #tpu.memory_space<vmem>> -> memref<1x128xi32, #tpu.memory_space<vmem>>
      %dma_start3A_508 = tpu.memref_squeeze %dma_start3A_507 : memref<1x128xi32, #tpu.memory_space<vmem>> -> memref<128xi32, #tpu.memory_space<vmem>>
      %dma_start3A_509 = arith.constant 0 : i32
      %dma_start3A_510 = arith.constant 0 : i32
      %dma_start3A_511 = tpu.memref_slice %arg7[%dma_start3A_509, %dma_start3A_510] : memref<1835008x64xf32, #tpu.memory_space<hbm>> -> memref<1835008x64xf32, #tpu.memory_space<hbm>>
      tpu.enqueue_indirect_dma source(%dma_start3A_505 : memref<128x64xf32, #tpu.memory_space<vmem>>) target(%dma_start3A_511 : memref<1835008x64xf32, #tpu.memory_space<hbm>>) offsets(%dma_start3A_508 : memref<128xi32, #tpu.memory_space<vmem>>) semaphore(%arg20 : memref<!tpu.dma_semaphore, #tpu.memory_space<semaphore_mem>>)
      %add3A_512 = arith.constant 1 : i32
      %add3A_513 = arith.addi %add3A_489, %add3A_512 : i32
      %lt3A_514 = arith.constant 200 : i32
      %lt3A_515 = arith.cmpi slt, %add3A_513, %lt3A_514 : i32
      %convert_element_type3A_516 = arith.extui %lt3A_515 : i1 to i32
      %cond3A_517 = arith.constant 0 : i32
      %cond3A_518 = arith.cmpi ne, %convert_element_type3A_516, %cond3A_517 : i32
      scf.if %cond3A_518 {
        %add3A_526 = arith.constant 1 : i32
        %add3A_527 = arith.addi %add3A_489, %add3A_526 : i32
        %dma_wait3A_528 = arith.constant 0 : i32
        %dma_wait3A_529 = arith.constant 0 : i32
        %dma_wait3A_530 = arith.constant 0 : i32
        %dma_wait3A_531 = tpu.memref_slice %arg11[%dma_wait3A_528, %dma_wait3A_529, %dma_wait3A_530] : memref<4x128x64xf32, #tpu.memory_space<vmem>> -> memref<1x128x64xf32, #tpu.memory_space<vmem>>
        %dma_wait3A_532 = tpu.memref_squeeze %dma_wait3A_531 : memref<1x128x64xf32, #tpu.memory_space<vmem>> -> memref<128x64xf32, #tpu.memory_space<vmem>>
        %dma_wait3A_533 = arith.constant 0 : i32
        %dma_wait3A_534 = tpu.memref_slice %arg9[%add3A_527, %dma_wait3A_533] : memref<200x128xi32, #tpu.memory_space<vmem>> -> memref<1x128xi32, #tpu.memory_space<vmem>>
        %dma_wait3A_535 = tpu.memref_squeeze %dma_wait3A_534 : memref<1x128xi32, #tpu.memory_space<vmem>> -> memref<128xi32, #tpu.memory_space<vmem>>
        %dma_wait3A_536 = arith.constant 0 : i32
        %dma_wait3A_537 = arith.constant 0 : i32
        %dma_wait3A_538 = tpu.memref_slice %arg12[%dma_wait3A_536, %dma_wait3A_537] : memref<1440x64xf32, #tpu.memory_space<vmem_shared>> -> memref<1440x64xf32, #tpu.memory_space<vmem_shared>>
        tpu.wait_indirect_dma semaphore(%arg13 : memref<!tpu.dma_semaphore, #tpu.memory_space<semaphore_mem>>) src(%dma_wait3A_538 : memref<1440x64xf32, #tpu.memory_space<vmem_shared>>) dst(%dma_wait3A_532 : memref<128x64xf32, #tpu.memory_space<vmem>>)
        %dma_start3A_539 = arith.constant 0 : i32
        %dma_start3A_540 = arith.constant 0 : i32
        %dma_start3A_541 = arith.constant 0 : i32
        %dma_start3A_542 = tpu.memref_slice %arg11[%dma_start3A_539, %dma_start3A_540, %dma_start3A_541] : memref<4x128x64xf32, #tpu.memory_space<vmem>> -> memref<1x128x64xf32, #tpu.memory_space<vmem>>
        %dma_start3A_543 = tpu.memref_squeeze %dma_start3A_542 : memref<1x128x64xf32, #tpu.memory_space<vmem>> -> memref<128x64xf32, #tpu.memory_space<vmem>>
        %dma_start3A_544 = arith.constant 0 : i32
        %dma_start3A_545 = tpu.memref_slice %arg8[%add3A_527, %dma_start3A_544] : memref<200x128xi32, #tpu.memory_space<vmem>> -> memref<1x128xi32, #tpu.memory_space<vmem>>
        %dma_start3A_546 = tpu.memref_squeeze %dma_start3A_545 : memref<1x128xi32, #tpu.memory_space<vmem>> -> memref<128xi32, #tpu.memory_space<vmem>>
        %dma_start3A_547 = arith.constant 0 : i32
        %dma_start3A_548 = arith.constant 0 : i32
        %dma_start3A_549 = tpu.memref_slice %arg5[%dma_start3A_547, %dma_start3A_548] : memref<1000000x64xf32, #tpu.memory_space<hbm>> -> memref<1000000x64xf32, #tpu.memory_space<hbm>>
        tpu.enqueue_indirect_dma source(%dma_start3A_549 : memref<1000000x64xf32, #tpu.memory_space<hbm>>) target(%dma_start3A_543 : memref<128x64xf32, #tpu.memory_space<vmem>>) offsets(%dma_start3A_546 : memref<128xi32, #tpu.memory_space<vmem>>) semaphore(%arg13 : memref<!tpu.dma_semaphore, #tpu.memory_space<semaphore_mem>>) {add = true}
      } else {
      }
      %add3A_519 = arith.constant 2 : i32
      %add3A_520 = arith.addi %add3A_489, %add3A_519 : i32
      %lt3A_521 = arith.constant 200 : i32
      %lt3A_522 = arith.cmpi slt, %add3A_520, %lt3A_521 : i32
      %convert_element_type3A_523 = arith.extui %lt3A_522 : i1 to i32
      %cond3A_524 = arith.constant 0 : i32
      %cond3A_525 = arith.cmpi ne, %convert_element_type3A_523, %cond3A_524 : i32
      scf.if %cond3A_525 {
        %add3A_526 = arith.constant 2 : i32
        %add3A_527 = arith.addi %add3A_489, %add3A_526 : i32
        %sub3A = arith.constant 4 : i32
        %sub3A_528 = arith.subi %add3A_527, %sub3A : i32
        %dma_wait3A_529 = arith.constant 1 : i32
        %dma_wait3A_530 = arith.constant 0 : i32
        %dma_wait3A_531 = arith.constant 0 : i32
        %dma_wait3A_532 = tpu.memref_slice %arg11[%dma_wait3A_529, %dma_wait3A_530, %dma_wait3A_531] : memref<4x128x64xf32, #tpu.memory_space<vmem>> -> memref<1x128x64xf32, #tpu.memory_space<vmem>>
        %dma_wait3A_533 = tpu.memref_squeeze %dma_wait3A_532 : memref<1x128x64xf32, #tpu.memory_space<vmem>> -> memref<128x64xf32, #tpu.memory_space<vmem>>
        %dma_wait3A_534 = arith.constant 0 : i32
        %dma_wait3A_535 = tpu.memref_slice %arg10[%sub3A_528, %dma_wait3A_534] : memref<200x128xi32, #tpu.memory_space<vmem>> -> memref<1x128xi32, #tpu.memory_space<vmem>>
        %dma_wait3A_536 = tpu.memref_squeeze %dma_wait3A_535 : memref<1x128xi32, #tpu.memory_space<vmem>> -> memref<128xi32, #tpu.memory_space<vmem>>
        %dma_wait3A_537 = arith.constant 0 : i32
        %dma_wait3A_538 = arith.constant 0 : i32
        %dma_wait3A_539 = tpu.memref_slice %arg7[%dma_wait3A_537, %dma_wait3A_538] : memref<1835008x64xf32, #tpu.memory_space<hbm>> -> memref<1835008x64xf32, #tpu.memory_space<hbm>>
        tpu.wait_indirect_dma semaphore(%arg18 : memref<!tpu.dma_semaphore, #tpu.memory_space<semaphore_mem>>) src(%dma_wait3A_533 : memref<128x64xf32, #tpu.memory_space<vmem>>) dst(%dma_wait3A_539 : memref<1835008x64xf32, #tpu.memory_space<hbm>>)
        %dma_start3A_540 = arith.constant 1 : i32
        %dma_start3A_541 = arith.constant 0 : i32
        %dma_start3A_542 = arith.constant 0 : i32
        %dma_start3A_543 = tpu.memref_slice %arg11[%dma_start3A_540, %dma_start3A_541, %dma_start3A_542] : memref<4x128x64xf32, #tpu.memory_space<vmem>> -> memref<1x128x64xf32, #tpu.memory_space<vmem>>
        %dma_start3A_544 = tpu.memref_squeeze %dma_start3A_543 : memref<1x128x64xf32, #tpu.memory_space<vmem>> -> memref<128x64xf32, #tpu.memory_space<vmem>>
        %dma_start3A_545 = arith.constant 0 : i32
        %dma_start3A_546 = tpu.memref_slice %arg9[%add3A_527, %dma_start3A_545] : memref<200x128xi32, #tpu.memory_space<vmem>> -> memref<1x128xi32, #tpu.memory_space<vmem>>
        %dma_start3A_547 = tpu.memref_squeeze %dma_start3A_546 : memref<1x128xi32, #tpu.memory_space<vmem>> -> memref<128xi32, #tpu.memory_space<vmem>>
        %dma_start3A_548 = arith.constant 0 : i32
        %dma_start3A_549 = arith.constant 0 : i32
        %dma_start3A_550 = tpu.memref_slice %arg12[%dma_start3A_548, %dma_start3A_549] : memref<1440x64xf32, #tpu.memory_space<vmem_shared>> -> memref<1440x64xf32, #tpu.memory_space<vmem_shared>>
        tpu.enqueue_indirect_dma source(%dma_start3A_550 : memref<1440x64xf32, #tpu.memory_space<vmem_shared>>) target(%dma_start3A_544 : memref<128x64xf32, #tpu.memory_space<vmem>>) offsets(%dma_start3A_547 : memref<128xi32, #tpu.memory_space<vmem>>) semaphore(%arg14 : memref<!tpu.dma_semaphore, #tpu.memory_space<semaphore_mem>>)
      } else {
      }
    }
    %scan3A_317 = arith.constant 49 : i32
    %dma_wait3A_318 = arith.constant 0 : i32
    %dma_wait3A_319 = arith.constant 196 : i32
    %dma_wait3A_320 = arith.constant 0 : i32
    %dma_wait3A_321 = arith.constant 0 : i32
    %dma_wait3A_322 = tpu.memref_slice %arg11[%dma_wait3A_318, %dma_wait3A_320, %dma_wait3A_321] : memref<4x128x64xf32, #tpu.memory_space<vmem>> -> memref<1x128x64xf32, #tpu.memory_space<vmem>>
    %dma_wait3A_323 = tpu.memref_squeeze %dma_wait3A_322 : memref<1x128x64xf32, #tpu.memory_space<vmem>> -> memref<128x64xf32, #tpu.memory_space<vmem>>
    %dma_wait3A_324 = arith.constant 0 : i32
    %dma_wait3A_325 = tpu.memref_slice %arg10[%dma_wait3A_319, %dma_wait3A_324] : memref<200x128xi32, #tpu.memory_space<vmem>> -> memref<1x128xi32, #tpu.memory_space<vmem>>
    %dma_wait3A_326 = tpu.memref_squeeze %dma_wait3A_325 : memref<1x128xi32, #tpu.memory_space<vmem>> -> memref<128xi32, #tpu.memory_space<vmem>>
    %dma_wait3A_327 = arith.constant 0 : i32
    %dma_wait3A_328 = arith.constant 0 : i32
    %dma_wait3A_329 = tpu.memref_slice %arg7[%dma_wait3A_327, %dma_wait3A_328] : memref<1835008x64xf32, #tpu.memory_space<hbm>> -> memref<1835008x64xf32, #tpu.memory_space<hbm>>
    tpu.wait_indirect_dma semaphore(%arg17 : memref<!tpu.dma_semaphore, #tpu.memory_space<semaphore_mem>>) src(%dma_wait3A_323 : memref<128x64xf32, #tpu.memory_space<vmem>>) dst(%dma_wait3A_329 : memref<1835008x64xf32, #tpu.memory_space<hbm>>)
    %dma_wait3A_330 = arith.constant 1 : i32
    %dma_wait3A_331 = arith.constant 197 : i32
    %dma_wait3A_332 = arith.constant 0 : i32
    %dma_wait3A_333 = arith.constant 0 : i32
    %dma_wait3A_334 = tpu.memref_slice %arg11[%dma_wait3A_330, %dma_wait3A_332, %dma_wait3A_333] : memref<4x128x64xf32, #tpu.memory_space<vmem>> -> memref<1x128x64xf32, #tpu.memory_space<vmem>>
    %dma_wait3A_335 = tpu.memref_squeeze %dma_wait3A_334 : memref<1x128x64xf32, #tpu.memory_space<vmem>> -> memref<128x64xf32, #tpu.memory_space<vmem>>
    %dma_wait3A_336 = arith.constant 0 : i32
    %dma_wait3A_337 = tpu.memref_slice %arg10[%dma_wait3A_331, %dma_wait3A_336] : memref<200x128xi32, #tpu.memory_space<vmem>> -> memref<1x128xi32, #tpu.memory_space<vmem>>
    %dma_wait3A_338 = tpu.memref_squeeze %dma_wait3A_337 : memref<1x128xi32, #tpu.memory_space<vmem>> -> memref<128xi32, #tpu.memory_space<vmem>>
    %dma_wait3A_339 = arith.constant 0 : i32
    %dma_wait3A_340 = arith.constant 0 : i32
    %dma_wait3A_341 = tpu.memref_slice %arg7[%dma_wait3A_339, %dma_wait3A_340] : memref<1835008x64xf32, #tpu.memory_space<hbm>> -> memref<1835008x64xf32, #tpu.memory_space<hbm>>
    tpu.wait_indirect_dma semaphore(%arg18 : memref<!tpu.dma_semaphore, #tpu.memory_space<semaphore_mem>>) src(%dma_wait3A_335 : memref<128x64xf32, #tpu.memory_space<vmem>>) dst(%dma_wait3A_341 : memref<1835008x64xf32, #tpu.memory_space<hbm>>)
    %dma_wait3A_342 = arith.constant 2 : i32
    %dma_wait3A_343 = arith.constant 198 : i32
    %dma_wait3A_344 = arith.constant 0 : i32
    %dma_wait3A_345 = arith.constant 0 : i32
    %dma_wait3A_346 = tpu.memref_slice %arg11[%dma_wait3A_342, %dma_wait3A_344, %dma_wait3A_345] : memref<4x128x64xf32, #tpu.memory_space<vmem>> -> memref<1x128x64xf32, #tpu.memory_space<vmem>>
    %dma_wait3A_347 = tpu.memref_squeeze %dma_wait3A_346 : memref<1x128x64xf32, #tpu.memory_space<vmem>> -> memref<128x64xf32, #tpu.memory_space<vmem>>
    %dma_wait3A_348 = arith.constant 0 : i32
    %dma_wait3A_349 = tpu.memref_slice %arg10[%dma_wait3A_343, %dma_wait3A_348] : memref<200x128xi32, #tpu.memory_space<vmem>> -> memref<1x128xi32, #tpu.memory_space<vmem>>
    %dma_wait3A_350 = tpu.memref_squeeze %dma_wait3A_349 : memref<1x128xi32, #tpu.memory_space<vmem>> -> memref<128xi32, #tpu.memory_space<vmem>>
    %dma_wait3A_351 = arith.constant 0 : i32
    %dma_wait3A_352 = arith.constant 0 : i32
    %dma_wait3A_353 = tpu.memref_slice %arg7[%dma_wait3A_351, %dma_wait3A_352] : memref<1835008x64xf32, #tpu.memory_space<hbm>> -> memref<1835008x64xf32, #tpu.memory_space<hbm>>
    tpu.wait_indirect_dma semaphore(%arg19 : memref<!tpu.dma_semaphore, #tpu.memory_space<semaphore_mem>>) src(%dma_wait3A_347 : memref<128x64xf32, #tpu.memory_space<vmem>>) dst(%dma_wait3A_353 : memref<1835008x64xf32, #tpu.memory_space<hbm>>)
    %dma_wait3A_354 = arith.constant 3 : i32
    %dma_wait3A_355 = arith.constant 199 : i32
    %dma_wait3A_356 = arith.constant 0 : i32
    %dma_wait3A_357 = arith.constant 0 : i32
    %dma_wait3A_358 = tpu.memref_slice %arg11[%dma_wait3A_354, %dma_wait3A_356, %dma_wait3A_357] : memref<4x128x64xf32, #tpu.memory_space<vmem>> -> memref<1x128x64xf32, #tpu.memory_space<vmem>>
    %dma_wait3A_359 = tpu.memref_squeeze %dma_wait3A_358 : memref<1x128x64xf32, #tpu.memory_space<vmem>> -> memref<128x64xf32, #tpu.memory_space<vmem>>
    %dma_wait3A_360 = arith.constant 0 : i32
    %dma_wait3A_361 = tpu.memref_slice %arg10[%dma_wait3A_355, %dma_wait3A_360] : memref<200x128xi32, #tpu.memory_space<vmem>> -> memref<1x128xi32, #tpu.memory_space<vmem>>
    %dma_wait3A_362 = tpu.memref_squeeze %dma_wait3A_361 : memref<1x128xi32, #tpu.memory_space<vmem>> -> memref<128xi32, #tpu.memory_space<vmem>>
    %dma_wait3A_363 = arith.constant 0 : i32
    %dma_wait3A_364 = arith.constant 0 : i32
    %dma_wait3A_365 = tpu.memref_slice %arg7[%dma_wait3A_363, %dma_wait3A_364] : memref<1835008x64xf32, #tpu.memory_space<hbm>> -> memref<1835008x64xf32, #tpu.memory_space<hbm>>
    tpu.wait_indirect_dma semaphore(%arg20 : memref<!tpu.dma_semaphore, #tpu.memory_space<semaphore_mem>>) src(%dma_wait3A_359 : memref<128x64xf32, #tpu.memory_space<vmem>>) dst(%dma_wait3A_365 : memref<1835008x64xf32, #tpu.memory_space<hbm>>)
    return
  }
}

</mosaic_0001>

<sc_bundles>
// kernel: _run.3.cloned.1.call-start
scs
__scs_entry_jumppad:
0x0: {  	(pc) =	sbr.rel $0x88, $3  }
0x1: {  	(tag) =	ssettag $0x0;
	lr =	simm.s32 $0x1  }
0x2: {  	[smem:$0x3F9C] =	sst lr;
	_ =	strace $0xD0000000  }
0x3: {  	_ = 	snop  }
0x4: {  	_ = 	snop  }
0x5: {  	_ = 	snop  }
0x6: {  	_ = 	snop  }
0x7: {  	_ = 	snop  }
__scs_overlays_trampoline_lowered:
0x8: {  	[smem:$0x3FAB] =	sst s0  }
0x9: {  	[smem:$0x3FAC] =	sst s1  }
0xa: {  	[smem:$0x3FAD] =	sst s2  }
0xb: {  	[smem:$0x3FAE] =	sst s3  }
0xc: {  	[smem:$0x3FAF] =	sst s4  }
0xd: {  	[smem:$0x3FB0] =	sst s5  }
0xe: {  	[smem:$0x3FB1] =	sst s6  }
0xf: {  	[smem:$0x3FB2] =	sst s7  }
0x10: {  	[smem:$0x3FB3] =	sst s8  }
0x11: {  	[smem:$0x3FB4] =	sst s9;
	s0 =	simm.s32 @!p0 $0x0  }
0x12: {  	s1 =	sld [smem:$0x3F9A];
	s0 =	simm.s32 @p0 $0x1  }
0x13: {  	[smem:$0x3FB5] =	sst s0;
	s0 =	simm.s32 @!p1 $0x0  }
0x14: {  	s2 =	sld [smem:$0x3F99];
	s0 =	simm.s32 @p1 $0x1  }
0x15: {  	[smem:$0x3FB6] =	sst s0;
	s0 =	simm.s32 @!p2 $0x0  }
0x16: {  	s3 =	sld [smem:$0x3FDB];
	s0 =	simm.s32 @p2 $0x1  }
0x17: {  	s4 =	simm.s32 $0x1BF5;
	[smem:$0x3FB8] =	sst s0  }
0x18: {  	s0 =	sld [smem:$0x3F9B];
	_ =	swait.ge [sflag:s4], $0x0  }
0x19: {  	s7 =	sld [smem:$0x3F9C]  }
0x1a: {  	s8 =	sadd.s32 $0xFFFFE003, lr  }
0x1b: {  	s9 =	sadd.s32 $0xFFFFFEF7, lr;
	s5 =	simm.s32 $0xFFFFFFFF;
	p2 =	slt.u32 s8, $0xFFFFF086  }
0x1c: {  	p1 =	slt.u32 s9, $0xF7A;
	s5 =	simm.s32 @!p2 $0x0  }
0x1d: {  	s5 =	simm.s32 @p1 $0x1;
	p0 =	seq.s32 s7, s2  }
0x1e: {  	s7 =	smul.u32 @!p0 $0xF7A, s2;
	p2 =	seq.s32 @!p0 s5, $0x0  }
0x1f: {  	s9 =	smul.u32 $0xF7A, s1;
	s8 =	simm.s32 @!p0 $0x1BF5;
	p2 =	por !p2, p0  }
0x20: {  	[sflag:s8] =	ssyncset.s32 @!p0 $0xFFFFF086;
	s6 =	sadd.s32 @!p0 s3, s7;
	s7 =	simm.s32 @!p0 $0x108  }
0x21: {  	s3 =	sadd.s32 s3, s9;
	s6 =	sadd.s32 @!p0 $0x88, s6;
	s7 =	simm.s32 @p2 $0x1082  }
0x22: {  	[simem:s7], [sflag:s8] =	dma.local @!p0 [hbm:s6], $0xF7A  }
0x23: {  	s9 =	sor.u32 $0xD0000000, s2;
	s6 =	simm.s32 $0x108;
	_ =	swait.ge @!p0 [sflag:s8], $0x0  }
0x24: {  	s3 =	sadd.s32 $0x88, s3;
	s6 =	simm.s32 @!p1 $0x1082;
	[sflag:s4] =	ssyncset.s32 $0xFFFFF086  }
0x25: {  	[simem:s6], [sflag:s4] =	dma.local [hbm:s3], $0xF7A  }
0x26: {  	[smem:$0x3F9C] =	sst s1;
	(tag) =	ssettag s2;
	_ =	strace s9  }
0x27: {  	s1 =	sld [smem:$0x3FAC]  }
0x28: {  	s2 =	sld [smem:$0x3FAD]  }
0x29: {  	s4 =	sld [smem:$0x3FAF]  }
0x2a: {  	p0 =	seq.s32 s5, $0x0;
	s5 =	sld [smem:$0x3FB0]  }
0x2b: {  	s6 =	sld [smem:$0x3FB1]  }
0x2c: {  	s7 =	sld [smem:$0x3FB2]  }
0x2d: {  	s3 =	simm.s32 $0x108;
	s8 =	sld [smem:$0x3FB3]  }
0x2e: {  	s3 =	simm.s32 @!p0 $0x1082;
	s9 =	sld [smem:$0x3FB4]  }
0x2f: {  	lr =	sadd.s32 s0, s3;
	s0 =	sld [smem:$0x3FAB]  }
0x30: {  	s3 =	sld [smem:$0x3FAE]  }
0x31: {  	[smem:$0x3FB7] =	sst s10  }
0x32: {  	s10 =	sld [smem:$0x3FB5];
	_ =	sdelay $0x3  }
0x33: {  	p0 =	seq.s32 s10, $0x1;
	s10 =	sld [smem:$0x3FB7];
	_ =	sdelay $0x3  }
0x34: {  	[smem:$0x3FB7] =	sst s10  }
0x35: {  	s10 =	sld [smem:$0x3FB6];
	_ =	sdelay $0x3  }
0x36: {  	p1 =	seq.s32 s10, $0x1;
	s10 =	sld [smem:$0x3FB7];
	_ =	sdelay $0x3  }
0x37: {  	[smem:$0x3FB7] =	sst s10  }
0x38: {  	s10 =	sld [smem:$0x3FB8]  }
0x39: {  	_ = 	snop;
	(pc) =	sbr.ind lr, $3  }
0x3a: {  	_ = 	snop  }
0x3b: {  	_ = 	snop  }
0x3c: {  	p2 =	seq.s32 s10, $0x1;
	s10 =	sld [smem:$0x3FB7]  }
0x3d: {  	_ =	shalt  }
0x3e: {  	_ =	shalt  }
0x3f: {  	_ =	shalt  }
0x40: {  	_ =	shalt  }
0x41: {  	_ =	shalt  }
0x42: {  	_ =	shalt  }
0x43: {  	_ =	shalt  }
0x44: {  	_ =	shalt  }
0x45: {  	_ =	shalt  }
0x46: {  	_ =	shalt  }
0x47: {  	_ =	shalt  }
0x48: {  	_ =	shalt  }
0x49: {  	_ =	shalt  }
0x4a: {  	_ =	shalt  }
0x4b: {  	_ =	shalt  }
0x4c: {  	_ =	shalt  }
0x4d: {  	_ =	shalt  }
0x4e: {  	_ =	shalt  }
0x4f: {  	_ =	shalt  }
0x50: {  	_ =	shalt  }
0x51: {  	_ =	shalt  }
0x52: {  	_ =	shalt  }
0x53: {  	_ =	shalt  }
0x54: {  	_ =	shalt  }
0x55: {  	_ =	shalt  }
0x56: {  	_ =	shalt  }
0x57: {  	_ =	shalt  }
0x58: {  	_ =	shalt  }
0x59: {  	_ =	shalt  }
0x5a: {  	_ =	shalt  }
0x5b: {  	_ =	shalt  }
0x5c: {  	_ =	shalt  }
0x5d: {  	_ =	shalt  }
0x5e: {  	_ =	shalt  }
0x5f: {  	_ =	shalt  }
0x60: {  	_ =	shalt  }
0x61: {  	_ =	shalt  }
0x62: {  	_ =	shalt  }
0x63: {  	_ =	shalt  }
0x64: {  	_ =	shalt  }
0x65: {  	_ =	shalt  }
0x66: {  	_ =	shalt  }
0x67: {  	_ =	shalt  }
0x68: {  	_ =	shalt  }
0x69: {  	_ =	shalt  }
0x6a: {  	_ =	shalt  }
0x6b: {  	_ =	shalt  }
0x6c: {  	_ =	shalt  }
0x6d: {  	_ =	shalt  }
0x6e: {  	_ =	shalt  }
0x6f: {  	_ =	shalt  }
0x70: {  	_ =	shalt  }
0x71: {  	_ =	shalt  }
0x72: {  	_ =	shalt  }
0x73: {  	_ =	shalt  }
0x74: {  	_ =	shalt  }
0x75: {  	_ =	shalt  }
0x76: {  	_ =	shalt  }
0x77: {  	_ =	shalt  }
0x78: {  	_ =	shalt  }
0x79: {  	_ =	shalt  }
0x7a: {  	_ =	shalt  }
0x7b: {  	_ =	shalt  }
0x7c: {  	_ =	shalt  }
0x7d: {  	_ =	shalt  }
0x7e: {  	_ =	shalt  }
0x7f: {  	_ =	shalt  }
0x80: {  	_ =	shalt  }
0x81: {  	_ =	shalt  }
0x82: {  	_ =	shalt  }
0x83: {  	_ =	shalt  }
0x84: {  	_ =	shalt  }
0x85: {  	_ =	shalt  }
0x86: {  	_ =	shalt  }
0x87: {  	_ =	shalt  }
.Lfunc_end0:
.L_simem_size_0:
called_computation.1_lowered:
.L_overlay_start_0:
0x88: {  	s2 =	sld [smem:$0x3FD9]  }
0x89: {  	s3 =	sld [smem:$0x3FFE];
	_ =	sdelay $0x1  }
0x8a: {  	s1 =	srdreg.scid  }
0x8b: {  	s0 =	sand.u32 $0x1, s1  }
0x8c: {  	s17 =	sshll.u32 s0, $0xA;
	s2 =	sadd.s32 s3, s2  }
0x8d: {  	s2 =	sadd.s32 s2, s17  }
0x8e: {  	[smem:$0x3FC3] =	sst s2  }
0x8f: {  	_ = 	snop  }
0x90: {  	s2 =	sld [smem:$0x3FC9]  }
0x91: {  	s18 =	sld [smem:$0x3FC8]  }
0x92: {  	s4 =	sld [smem:$0x3FC7]  }
0x93: {  	s5 =	sld [smem:$0x3FD0];
	(tm) =	ssettm $0x1  }
0x94: {  	s6 =	sld [smem:$0x3FFB];
	_ =	sdelay $0x3  }
0x95: {  	_ =	strace s6  }
0x96: {  	s6 =	sld [smem:$0x3FFC];
	_ =	sdelay $0x3  }
0x97: {  	_ =	strace s6  }
0x98: {  	s6 =	sld [smem:$0x3FFD];
	_ =	sdelay $0x3  }
0x99: {  	_ =	strace s6  }
0x9a: {  	_ =	strace $0x8FFFFFFF  }
0x9b: {  	s19 =	sld [smem:$0x3FDB];
	_ =	sdelay $0x1  }
0x9c: {  	s7 =	simm.s32 $_scs_section_size  }
0x9d: {  	s8 =	simm.s32 $_size__tile_overlayer_lowered;
	s9 =	simm.s32 $_tile_overlayer_lowered  }
0x9e: {  	s22 =	simm.s32 $0x1BFF;
	s21 =	sshll.u32 s9, $0x1;
	s6 =	sadd.s32 s7, s19  }
0x9f: {  	s10 =	simm.s32 $0x0;
	s20 =	sshll.u32 s8, $0x1;
	s8 =	sadd.s32 s21, s6  }
0xa0: {  	[timem:s10], [sflag:s22] =	dma.local [hbm:s8], s20  }
0xa1: {  	_ =	swait.ge [sflag:s22], s20  }
0xa2: {  	s7 =	ssub.s32 $0x0, s20;
	[sflag:s22] =	ssyncset.done $0x0  }
0xa3: {  	[sflag:s22] =	ssyncadd.s32 s7;
	_ =	sdelay $0x1  }
0xa4: {  	s23 =	simm.s32 $0x1B8B  }
0xa5: {  	_ =	swait.ge [sflag:s23], $0x1  }
0xa6: {  	[sflag:s23] =	ssyncset.done $0x0  }
0xa7: {  	s25 =	simm.s32 $0x1B8E;
	s24 =	sld [smem:$0x3FFE];
	[sflag:s23] =	ssyncadd.s32 $0xFFFFFFFF  }
0xa8: {  	s26 =	simm.s32 $execute0_lowered;
	[smem:$0x3FD2] =	sst s25  }
0xa9: {  	s8 =	sshll.u32 s26, $0x1;
	_ =	strace $0x80000046;
	[dreg:$0x1] =	wrdreg $0xFFFFFFFF  }
0xaa: {  	s28 =	simm.s32 $_size_execute0_lowered;
	s6 =	sadd.s32 s6, s8;
	[dreg:$0x0] =	wrdreg $0x0  }
0xab: {  	s8 =	sshll.u32 s28, $0x1;
	[dreg:$0x2] =	wrdreg s6  }
0xac: {  	[dreg:$0x3] =	wrdreg s8  }
0xad: {  	[dreg:$0x4] =	wrdreg $0xC0  }
0xae: {  	_ =	task [dreg:s10], $0x5FFFF  }
0xaf: {  	[dreg:$0x1] =	wrdreg $0xFFFFFFFF  }
0xb0: {  	[dreg:$0x0] =	wrdreg $0x60  }
0xb1: {  	[dreg:$0x2] =	wrdreg s2  }
0xb2: {  	[dreg:$0x3] =	wrdreg s18  }
0xb3: {  	[dreg:$0x4] =	wrdreg s4  }
0xb4: {  	[dreg:$0x5] =	wrdreg s24  }
0xb5: {  	[dreg:$0x6] =	wrdreg s5  }
0xb6: {  	[dreg:$0x7] =	wrdreg $0x1AC000  }
0xb7: {  	[dreg:$0x8] =	wrdreg $0x9  }
0xb8: {  	_ =	task.clear_ibuf [dreg:s10], $0x9FFFF;
	_ =	strace $0x90000046  }
0xb9: {  	s29 =	simm.s32 $0x9;
	_ =	strace $0x80000048  }
0xba: {  	_ =	swait.ge [sflag:s29], $0x1  }
0xbb: {  	[sflag:s29] =	ssyncadd.s32 $0xFFFFFFFF  }
0xbc: {  	_ =	strace $0x90000048  }
0xbd: {  	_ =	sfence  }
0xbe: {  	s30 =	sld [smem:$0x0];
	_ =	sdelay $0x2  }
0xbf: {  	s31 =	sshll.u32 s1, $0xD;
	s1 =	sshrl.u32 s1, $0x2  }
0xc0: {  	s3 =	sand.u32 $0x4000, s31;
	s1 =	sadd.s32 s1, s30  }
0xc1: {  	s0 =	sor.u32 s3, s0;
	s1 =	sshll.u32 s1, $0x11  }
0xc2: {  	s0 =	sor.u32 s1, s0  }
0xc3: {  	s0 =	sadd.s32 $0x8F2B, s0  }
0xc4: {  	[sflag:s0] =	ssyncadd.remote.s32 $0x1  }
0xc5: {  	_ =	sfence.sel $0xFFFF  }
0xc6: {  	[dreg:$0x0] =	wrdreg $0xFFFFFFFF;
	(pc) =	sbr.abs _section_cstart, $3  }
0xc7: {  	[dreg:$0x1] =	wrdreg $0xFFFFFFFF  }
0xc8: {  	_ =	task.clear_ibuf [dreg:s10], $0x2FFFF;
	_ =	strace $0x9FFFFFFF  }
0xc9: {  	(tm) =	ssettm $0x7FFFFFFF  }
tec
execute0_lowered:
.L_overlay_start_1:
0x0: {  	(tag) =	ssettag $0x1  }
0x1: {  	s1 =	rddreg [dreg:$0x0]  }
0x2: {  	s7 =	rddreg [dreg:$0x1]  }
0x3: {  	s8 =	rddreg [dreg:$0x2]  }
0x4: {  	s5 =	rddreg [dreg:$0x3]  }
0x5: {  	s0 =	rddreg [dreg:$0x4];
	s3 =	srdreg.scid  }
0x6: {  	s9 =	stileid.u32;
	s2 =	rddreg [dreg:$0x5]  }
0x7: {  	s12 =	simm.s32 $0x6400;
	s13 =	simm.s32 $0xC800;
	s14 =	simm.s32 $0x80  }
0x8: {  	s15 =	simm.s32 $0x12C00;
	s17 =	simm.s32 $0x14C00;
	s18 =	simm.s32 $0x1  }
0x9: {  	s19 =	simm.s32 $0x2;
	s21 =	simm.s32 $0x16C00;
	s23 =	simm.s32 $0x3  }
0xa: {  	s26 =	simm.s32 $0x18C00;
	s29 =	simm.s32 $0x4;
	s31 =	simm.s32 $0x5  }
0xb: {  	s22 =	simm.s32 $0x6;
	s25 =	simm.s32 $0x7;
	s28 =	simm.s32 $0x8  }
0xc: {  	s20 =	simm.s32 $0x12B80;
	s24 =	simm.s32 $0x0;
	s4 =	sand.u32 $0x1, s3  }
0xd: {  	s6 =	sshll.u32 s9, $0x1;
	s3 =	simm.s32 $0x0;
	p0 =	sne.s32 s9, $0x0  }
0xe: {  	s6 =	sor.u32 s4, s6;
	[smem:$0x7FF] =	sst s3;
	s10 =	ssub.s32 $0x2, s4  }
0xf: {  	s4 =	sadd.s32 $0xF45A00, s5;
	s11 =	smul.u32 $0xC80, s6;
	s30 =	sshrl.u32 s10, $0x1  }
0x10: {  	s5 =	sadd.s32 $0x800, s5;
	_ =	strace $0x80000047;
	s10 =	ssub.s32 s10, s30  }
0x11: {  	s6 =	sadd.s32 s1, s11;
	s7 =	sadd.s32 s7, s11;
	s8 =	sadd.s32 s8, s11  }
0x12: {  	s9 =	smax.u32 s10, $0x1;
	s10 =	sshrl.u32 @!p0 s2, $0x3;
	s11 =	simm.s32 $0x9  }
.LBB2_1:
0x13: {  	s1 =	simm.s32 @!p0 $0x1C09  }
0x14: {  	[spmem:s10], [sflag:s1] =	dma.local @!p0 [hbm:s5], $0x2D00  }
0x15: {  	s1 =	simm.s32 @!p0 $0x9  }
0x16: {  	_ =	swait.ge @!p0 [sflag:s1], $0x2D00  }
0x17: {  	[sflag:s1] =	ssyncset.done @!p0 $0x0  }
0x18: {  	[sflag:s1] =	ssyncadd.s32 @!p0 $0xFFFFD300  }
0x19: {  	[tilespmem:s3], [sflag:$0x9] =	stream.linear.gather [hbm4b:s6+s3], $0x6400, $0x38;
	[tilespmem:$0x1C280] =	vst v63  }
0x1a: {  	_ =	swait.ge [sflag:s11], $0x6400  }
0x1b: {  	[sflag:s11] =	ssyncset.done $0x0  }
0x1c: {  	[sflag:s11] =	ssyncadd.s32 $0xFFFF9C00  }
0x1d: {  	[tilespmem:s12], [sflag:$0x9] =	stream.linear.gather [hbm4b:s7+s3], $0x6400, $0x38;
	[tilespmem:$0x1C280] =	vst v63  }
0x1e: {  	_ =	swait.ge [sflag:s11], $0x6400  }
0x1f: {  	[sflag:s11] =	ssyncset.done $0x0  }
0x20: {  	[sflag:s11] =	ssyncadd.s32 $0xFFFF9C00  }
0x21: {  	[tilespmem:s13], [sflag:$0x9] =	stream.linear.gather [hbm4b:s8+s3], $0x6400, $0x38;
	[tilespmem:$0x1C280] =	vst v63  }
0x22: {  	_ =	swait.ge [sflag:s11], $0x6400  }
0x23: {  	[sflag:s11] =	ssyncset.done $0x0  }
0x24: {  	[sflag:s11] =	ssyncadd.s32 $0xFFFF9C00  }
0x25: {  	[bflag:$0x0] =	sbarrier.arrive $0xFFFF  }
0x26: {  	[tilespmem:s15], [sflag:$0x1] =	stream.indirect.gather [spmem:s2], $0x40, s12, s14, $0xb8;
	[tilespmem:$0x1C280] =	vst v63  }
0x27: {  	s16 =	simm.s32 $0x6480  }
0x28: {  	[tilespmem:s17], [sflag:$0x2] =	stream.indirect.gather [spmem:s2], $0x40, s16, s14, $0xb8;
	[tilespmem:$0x1C280] =	vst v63  }
0x29: {  	_ =	swait.ge [sflag:s18], $0x2000  }
0x2a: {  	[sflag:s18] =	ssyncset.done $0x0  }
0x2b: {  	[sflag:s18] =	ssyncadd.s32 $0xFFFFE000  }
0x2c: {  	[tilespmem:s15], [sflag:$0x1] =	stream.indirect.gather.add.f32 [hbm:s4], $0x40, s3, s14, $0xb8;
	[tilespmem:$0x1C280] =	vst v63  }
0x2d: {  	_ =	swait.ge [sflag:s18], $0x2000  }
0x2e: {  	[sflag:s18] =	ssyncset.done $0x0  }
0x2f: {  	[sflag:s18] =	ssyncadd.s32 $0xFFFFE000  }
0x30: {  	[hbm4b:s0+s14] =	stream.indirect.scatter [tilespmem:s15], [sflag:$0x5], $0x40, s13, s14, $0xb8;
	[tilespmem:$0x1C280] =	vst v63  }
0x31: {  	_ =	swait.ge [sflag:s19], $0x2000  }
0x32: {  	[sflag:s19] =	ssyncset.done $0x0  }
0x33: {  	[sflag:s19] =	ssyncadd.s32 $0xFFFFE000  }
0x34: {  	[tilespmem:s17], [sflag:$0x2] =	stream.indirect.gather.add.f32 [hbm:s4], $0x40, s14, s14, $0xb8;
	[tilespmem:$0x1C280] =	vst v63  }
0x35: {  	s16 =	simm.s32 $0x6500  }
0x36: {  	[tilespmem:s21], [sflag:$0x3] =	stream.indirect.gather [spmem:s2], $0x40, s16, s14, $0xb8;
	[tilespmem:$0x1C280] =	vst v63  }
0x37: {  	_ =	swait.ge [sflag:s19], $0x2000  }
0x38: {  	[sflag:s19] =	ssyncset.done $0x0  }
0x39: {  	s16 =	simm.s32 $0xC880;
	[sflag:s19] =	ssyncadd.s32 $0xFFFFE000  }
0x3a: {  	[hbm4b:s0+s14] =	stream.indirect.scatter [tilespmem:s17], [sflag:$0x6], $0x40, s16, s14, $0xb8;
	[tilespmem:$0x1C280] =	vst v63  }
0x3b: {  	_ =	swait.ge [sflag:s23], $0x2000  }
0x3c: {  	[sflag:s23] =	ssyncset.done $0x0  }
0x3d: {  	s16 =	simm.s32 $0x100;
	[sflag:s23] =	ssyncadd.s32 $0xFFFFE000  }
0x3e: {  	[tilespmem:s21], [sflag:$0x3] =	stream.indirect.gather.add.f32 [hbm:s4], $0x40, s16, s14, $0xb8;
	[tilespmem:$0x1C280] =	vst v63  }
0x3f: {  	s16 =	simm.s32 $0x6580  }
0x40: {  	[tilespmem:s26], [sflag:$0x4] =	stream.indirect.gather [spmem:s2], $0x40, s16, s14, $0xb8;
	[tilespmem:$0x1C280] =	vst v63  }
0x41: {  	_ =	swait.ge [sflag:s23], $0x2000  }
0x42: {  	[sflag:s23] =	ssyncset.done $0x0  }
0x43: {  	s16 =	simm.s32 $0xC900;
	[sflag:s23] =	ssyncadd.s32 $0xFFFFE000  }
0x44: {  	[hbm4b:s0+s14] =	stream.indirect.scatter [tilespmem:s21], [sflag:$0x7], $0x40, s16, s14, $0xb8;
	[tilespmem:$0x1C280] =	vst v63  }
0x45: {  	_ =	swait.ge [sflag:s29], $0x2000  }
0x46: {  	[sflag:s29] =	ssyncset.done $0x0  }
0x47: {  	s16 =	simm.s32 $0x180;
	[sflag:s29] =	ssyncadd.s32 $0xFFFFE000  }
0x48: {  	[tilespmem:s26], [sflag:$0x4] =	stream.indirect.gather.add.f32 [hbm:s4], $0x40, s16, s14, $0xb8;
	[tilespmem:$0x1C280] =	vst v63  }
0x49: {  	_ =	swait.ge [sflag:s31], $0x2000  }
0x4a: {  	[sflag:s31] =	ssyncset.done $0x0  }
0x4b: {  	s16 =	simm.s32 $0x6600;
	[sflag:s31] =	ssyncadd.s32 $0xFFFFE000  }
0x4c: {  	[tilespmem:s15], [sflag:$0x1] =	stream.indirect.gather [spmem:s2], $0x40, s16, s14, $0xb8;
	[tilespmem:$0x1C280] =	vst v63  }
0x4d: {  	_ =	swait.ge [sflag:s29], $0x2000  }
0x4e: {  	[sflag:s29] =	ssyncset.done $0x0  }
0x4f: {  	s16 =	simm.s32 $0xC980;
	[sflag:s29] =	ssyncadd.s32 $0xFFFFE000  }
0x50: {  	[hbm4b:s0+s14] =	stream.indirect.scatter [tilespmem:s26], [sflag:$0x8], $0x40, s16, s14, $0xb8;
	[tilespmem:$0x1C280] =	vst v63  }
0x51: {  	_ =	swait.ge [sflag:s18], $0x2000  }
0x52: {  	[sflag:s18] =	ssyncset.done $0x0  }
0x53: {  	s16 =	simm.s32 $0x200;
	[sflag:s18] =	ssyncadd.s32 $0xFFFFE000  }
0x54: {  	[tilespmem:s15], [sflag:$0x1] =	stream.indirect.gather.add.f32 [hbm:s4], $0x40, s16, s14, $0xb8;
	[tilespmem:$0x1C280] =	vst v63  }
0x55: {  	_ =	swait.ge [sflag:s22], $0x2000  }
0x56: {  	[sflag:s22] =	ssyncset.done $0x0  }
0x57: {  	s16 =	simm.s32 $0x6680;
	[sflag:s22] =	ssyncadd.s32 $0xFFFFE000  }
0x58: {  	[tilespmem:s17], [sflag:$0x2] =	stream.indirect.gather [spmem:s2], $0x40, s16, s14, $0xb8;
	[tilespmem:$0x1C280] =	vst v63  }
0x59: {  	_ =	swait.ge [sflag:s18], $0x2000  }
0x5a: {  	[sflag:s18] =	ssyncset.done $0x0  }
0x5b: {  	s16 =	simm.s32 $0xCA00;
	[sflag:s18] =	ssyncadd.s32 $0xFFFFE000  }
0x5c: {  	[hbm4b:s0+s14] =	stream.indirect.scatter [tilespmem:s15], [sflag:$0x5], $0x40, s16, s14, $0xb8;
	[tilespmem:$0x1C280] =	vst v63  }
0x5d: {  	_ =	swait.ge [sflag:s19], $0x2000  }
0x5e: {  	[sflag:s19] =	ssyncset.done $0x0  }
0x5f: {  	s16 =	simm.s32 $0x280;
	[sflag:s19] =	ssyncadd.s32 $0xFFFFE000  }
0x60: {  	[tilespmem:s17], [sflag:$0x2] =	stream.indirect.gather.add.f32 [hbm:s4], $0x40, s16, s14, $0xb8;
	[tilespmem:$0x1C280] =	vst v63  }
0x61: {  	_ =	swait.ge [sflag:s25], $0x2000  }
0x62: {  	[sflag:s25] =	ssyncset.done $0x0  }
0x63: {  	s16 =	simm.s32 $0x6700;
	[sflag:s25] =	ssyncadd.s32 $0xFFFFE000  }
0x64: {  	[tilespmem:s21], [sflag:$0x3] =	stream.indirect.gather [spmem:s2], $0x40, s16, s14, $0xb8;
	[tilespmem:$0x1C280] =	vst v63  }
0x65: {  	_ =	swait.ge [sflag:s19], $0x2000  }
0x66: {  	[sflag:s19] =	ssyncset.done $0x0  }
0x67: {  	s16 =	simm.s32 $0xCA80;
	[sflag:s19] =	ssyncadd.s32 $0xFFFFE000  }
0x68: {  	[hbm4b:s0+s14] =	stream.indirect.scatter [tilespmem:s17], [sflag:$0x6], $0x40, s16, s14, $0xb8;
	[tilespmem:$0x1C280] =	vst v63  }
0x69: {  	_ =	swait.ge [sflag:s23], $0x2000  }
0x6a: {  	[sflag:s23] =	ssyncset.done $0x0  }
0x6b: {  	s16 =	simm.s32 $0x300;
	[sflag:s23] =	ssyncadd.s32 $0xFFFFE000  }
0x6c: {  	[tilespmem:s21], [sflag:$0x3] =	stream.indirect.gather.add.f32 [hbm:s4], $0x40, s16, s14, $0xb8;
	[tilespmem:$0x1C280] =	vst v63  }
0x6d: {  	_ =	swait.ge [sflag:s28], $0x2000  }
0x6e: {  	[sflag:s28] =	ssyncset.done $0x0  }
0x6f: {  	s16 =	simm.s32 $0x6780;
	[sflag:s28] =	ssyncadd.s32 $0xFFFFE000  }
0x70: {  	[tilespmem:s26], [sflag:$0x4] =	stream.indirect.gather [spmem:s2], $0x40, s16, s14, $0xb8;
	[tilespmem:$0x1C280] =	vst v63  }
0x71: {  	_ =	swait.ge [sflag:s23], $0x2000  }
0x72: {  	[sflag:s23] =	ssyncset.done $0x0  }
0x73: {  	s16 =	simm.s32 $0xCB00;
	[sflag:s23] =	ssyncadd.s32 $0xFFFFE000  }
0x74: {  	[hbm4b:s0+s14] =	stream.indirect.scatter [tilespmem:s21], [sflag:$0x7], $0x40, s16, s14, $0xb8;
	[tilespmem:$0x1C280] =	vst v63  }
0x75: {  	_ =	swait.ge [sflag:s29], $0x2000  }
0x76: {  	[sflag:s29] =	ssyncset.done $0x0  }
0x77: {  	s16 =	simm.s32 $0x380;
	[sflag:s29] =	ssyncadd.s32 $0xFFFFE000  }
0x78: {  	[tilespmem:s26], [sflag:$0x4] =	stream.indirect.gather.add.f32 [hbm:s4], $0x40, s16, s14, $0xb8;
	[tilespmem:$0x1C280] =	vst v63  }
0x79: {  	_ =	swait.ge [sflag:s31], $0x2000  }
0x7a: {  	[sflag:s31] =	ssyncset.done $0x0  }
0x7b: {  	s16 =	simm.s32 $0x6800;
	[sflag:s31] =	ssyncadd.s32 $0xFFFFE000  }
0x7c: {  	[tilespmem:s15], [sflag:$0x1] =	stream.indirect.gather [spmem:s2], $0x40, s16, s14, $0xb8;
	[tilespmem:$0x1C280] =	vst v63  }
0x7d: {  	_ =	swait.ge [sflag:s29], $0x2000  }
0x7e: {  	[sflag:s29] =	ssyncset.done $0x0  }
0x7f: {  	s16 =	simm.s32 $0xCB80;
	[sflag:s29] =	ssyncadd.s32 $0xFFFFE000  }
0x80: {  	[hbm4b:s0+s14] =	stream.indirect.scatter [tilespmem:s26], [sflag:$0x8], $0x40, s16, s14, $0xb8;
	[tilespmem:$0x1C280] =	vst v63  }
0x81: {  	_ =	swait.ge [sflag:s18], $0x2000  }
0x82: {  	[sflag:s18] =	ssyncset.done $0x0  }
0x83: {  	s16 =	simm.s32 $0x400;
	[sflag:s18] =	ssyncadd.s32 $0xFFFFE000  }
0x84: {  	[tilespmem:s15], [sflag:$0x1] =	stream.indirect.gather.add.f32 [hbm:s4], $0x40, s16, s14, $0xb8;
	[tilespmem:$0x1C280] =	vst v63  }
0x85: {  	_ =	swait.ge [sflag:s22], $0x2000  }
0x86: {  	[sflag:s22] =	ssyncset.done $0x0  }
0x87: {  	s30 =	simm.s32 $0x800;
	s1 =	simm.s32 $0x6880;
	[sflag:s22] =	ssyncadd.s32 $0xFFFFE000  }
.LBB2_2:
0x88: {  	[tilespmem:s17], [sflag:$0x2] =	stream.indirect.gather [spmem:s2], $0x40, s1, s14, $0xb8;
	[tilespmem:$0x1C280] =	vst v63  }
0x89: {  	s1 =	smov.u32 s30  }
0x8a: {  	p1 =	sne.s32 s30, $0x17800;
	s30 =	sadd.s32 $0x800, s30;
	_ =	swait.ge [sflag:s18], $0x2000  }
0x8b: {  	s1 =	sshra.s32 s1, $0x2;
	[sflag:s18] =	ssyncset.done $0x0  }
0x8c: {  	s16 =	sadd.s32 $0xCA00, s1;
	[sflag:s18] =	ssyncadd.s32 $0xFFFFE000  }
0x8d: {  	[hbm4b:s0+s14] =	stream.indirect.scatter [tilespmem:s15], [sflag:$0x5], $0x40, s16, s14, $0xb8;
	[tilespmem:$0x1C280] =	vst v63  }
0x8e: {  	_ =	swait.ge [sflag:s19], $0x2000  }
0x8f: {  	[sflag:s19] =	ssyncset.done $0x0  }
0x90: {  	s16 =	sadd.s32 $0x280, s1;
	[sflag:s19] =	ssyncadd.s32 $0xFFFFE000  }
0x91: {  	[tilespmem:s17], [sflag:$0x2] =	stream.indirect.gather.add.f32 [hbm:s4], $0x40, s16, s14, $0xb8;
	[tilespmem:$0x1C280] =	vst v63  }
0x92: {  	_ =	swait.ge [sflag:s25], $0x2000  }
0x93: {  	[sflag:s25] =	ssyncset.done $0x0  }
0x94: {  	s16 =	sadd.s32 $0x6700, s1;
	[sflag:s25] =	ssyncadd.s32 $0xFFFFE000  }
0x95: {  	[tilespmem:s21], [sflag:$0x3] =	stream.indirect.gather [spmem:s2], $0x40, s16, s14, $0xb8;
	[tilespmem:$0x1C280] =	vst v63  }
0x96: {  	_ =	swait.ge [sflag:s19], $0x2000  }
0x97: {  	[sflag:s19] =	ssyncset.done $0x0  }
0x98: {  	s16 =	sadd.s32 $0xCA80, s1;
	[sflag:s19] =	ssyncadd.s32 $0xFFFFE000  }
0x99: {  	[hbm4b:s0+s14] =	stream.indirect.scatter [tilespmem:s17], [sflag:$0x6], $0x40, s16, s14, $0xb8;
	[tilespmem:$0x1C280] =	vst v63  }
0x9a: {  	_ =	swait.ge [sflag:s23], $0x2000  }
0x9b: {  	[sflag:s23] =	ssyncset.done $0x0  }
0x9c: {  	s16 =	sadd.s32 $0x300, s1;
	[sflag:s23] =	ssyncadd.s32 $0xFFFFE000  }
0x9d: {  	[tilespmem:s21], [sflag:$0x3] =	stream.indirect.gather.add.f32 [hbm:s4], $0x40, s16, s14, $0xb8;
	[tilespmem:$0x1C280] =	vst v63  }
0x9e: {  	_ =	swait.ge [sflag:s28], $0x2000  }
0x9f: {  	[sflag:s28] =	ssyncset.done $0x0  }
0xa0: {  	s16 =	sadd.s32 $0x6780, s1;
	[sflag:s28] =	ssyncadd.s32 $0xFFFFE000  }
0xa1: {  	[tilespmem:s26], [sflag:$0x4] =	stream.indirect.gather [spmem:s2], $0x40, s16, s14, $0xb8;
	[tilespmem:$0x1C280] =	vst v63  }
0xa2: {  	_ =	swait.ge [sflag:s23], $0x2000  }
0xa3: {  	[sflag:s23] =	ssyncset.done $0x0  }
0xa4: {  	s16 =	sadd.s32 $0xCB00, s1;
	[sflag:s23] =	ssyncadd.s32 $0xFFFFE000  }
0xa5: {  	[hbm4b:s0+s14] =	stream.indirect.scatter [tilespmem:s21], [sflag:$0x7], $0x40, s16, s14, $0xb8;
	[tilespmem:$0x1C280] =	vst v63  }
0xa6: {  	_ =	swait.ge [sflag:s29], $0x2000  }
0xa7: {  	[sflag:s29] =	ssyncset.done $0x0  }
0xa8: {  	s16 =	sadd.s32 $0x380, s1;
	[sflag:s29] =	ssyncadd.s32 $0xFFFFE000  }
0xa9: {  	[tilespmem:s26], [sflag:$0x4] =	stream.indirect.gather.add.f32 [hbm:s4], $0x40, s16, s14, $0xb8;
	[tilespmem:$0x1C280] =	vst v63  }
0xaa: {  	_ =	swait.ge [sflag:s31], $0x2000  }
0xab: {  	[sflag:s31] =	ssyncset.done $0x0  }
0xac: {  	s16 =	sadd.s32 $0x6800, s1;
	[sflag:s31] =	ssyncadd.s32 $0xFFFFE000  }
0xad: {  	[tilespmem:s15], [sflag:$0x1] =	stream.indirect.gather [spmem:s2], $0x40, s16, s14, $0xb8;
	[tilespmem:$0x1C280] =	vst v63  }
0xae: {  	_ =	swait.ge [sflag:s29], $0x2000  }
0xaf: {  	[sflag:s29] =	ssyncset.done $0x0  }
0xb0: {  	s16 =	sadd.s32 $0xCB80, s1;
	[sflag:s29] =	ssyncadd.s32 $0xFFFFE000  }
0xb1: {  	[hbm4b:s0+s14] =	stream.indirect.scatter [tilespmem:s26], [sflag:$0x8], $0x40, s16, s14, $0xb8;
	[tilespmem:$0x1C280] =	vst v63  }
0xb2: {  	_ =	swait.ge [sflag:s18], $0x2000  }
0xb3: {  	[sflag:s18] =	ssyncset.done $0x0  }
.Ltmp0:
0xb4: {  	s16 =	sadd.s32 $0x400, s1;
	[sflag:s18] =	ssyncadd.s32 $0xFFFFE000;
	(pc) =	sbr.rel @p1 .LBB2_2-.Ltmp0, $4  }
0xb5: {  	[tilespmem:s15], [sflag:$0x1] =	stream.indirect.gather.add.f32 [hbm:s4], $0x40, s16, s14, $0xb8;
	[tilespmem:$0x1C280] =	vst v63  }
0xb6: {  	_ =	swait.ge [sflag:s22], $0x2000  }
0xb7: {  	[sflag:s22] =	ssyncset.done $0x0  }
0xb8: {  	s1 =	sadd.s32 $0x6880, s1;
	[sflag:s22] =	ssyncadd.s32 $0xFFFFE000  }
0xb9: {  	[tilespmem:s17], [sflag:$0x2] =	stream.indirect.gather [spmem:s2], $0x40, s1, s14, $0xb8;
	[tilespmem:$0x1C280] =	vst v63  }
0xba: {  	_ =	swait.ge [sflag:s18], $0x2000  }
0xbb: {  	[sflag:s18] =	ssyncset.done $0x0  }
0xbc: {  	s16 =	simm.s32 $0x12A00;
	[sflag:s18] =	ssyncadd.s32 $0xFFFFE000  }
0xbd: {  	[hbm4b:s0+s14] =	stream.indirect.scatter [tilespmem:s15], [sflag:$0x5], $0x40, s16, s14, $0xb8;
	[tilespmem:$0x1C280] =	vst v63  }
0xbe: {  	_ =	swait.ge [sflag:s19], $0x2000  }
0xbf: {  	[sflag:s19] =	ssyncset.done $0x0  }
0xc0: {  	s30 =	simm.s32 $0x6280;
	[sflag:s19] =	ssyncadd.s32 $0xFFFFE000  }
0xc1: {  	[tilespmem:s17], [sflag:$0x2] =	stream.indirect.gather.add.f32 [hbm:s4], $0x40, s30, s14, $0xb8;
	[tilespmem:$0x1C280] =	vst v63  }
0xc2: {  	_ =	swait.ge [sflag:s25], $0x2000  }
0xc3: {  	[sflag:s25] =	ssyncset.done $0x0  }
0xc4: {  	s16 =	simm.s32 $0xC700;
	[sflag:s25] =	ssyncadd.s32 $0xFFFFE000  }
0xc5: {  	[tilespmem:s21], [sflag:$0x3] =	stream.indirect.gather [spmem:s2], $0x40, s16, s14, $0xb8;
	[tilespmem:$0x1C280] =	vst v63  }
0xc6: {  	_ =	swait.ge [sflag:s19], $0x2000  }
0xc7: {  	[sflag:s19] =	ssyncset.done $0x0  }
0xc8: {  	s30 =	simm.s32 $0x12A80;
	[sflag:s19] =	ssyncadd.s32 $0xFFFFE000  }
0xc9: {  	[hbm4b:s0+s14] =	stream.indirect.scatter [tilespmem:s17], [sflag:$0x6], $0x40, s30, s14, $0xb8;
	[tilespmem:$0x1C280] =	vst v63  }
0xca: {  	_ =	swait.ge [sflag:s23], $0x2000  }
0xcb: {  	[sflag:s23] =	ssyncset.done $0x0  }
0xcc: {  	s16 =	simm.s32 $0x6300;
	[sflag:s23] =	ssyncadd.s32 $0xFFFFE000  }
0xcd: {  	[tilespmem:s21], [sflag:$0x3] =	stream.indirect.gather.add.f32 [hbm:s4], $0x40, s16, s14, $0xb8;
	[tilespmem:$0x1C280] =	vst v63  }
0xce: {  	_ =	swait.ge [sflag:s28], $0x2000  }
0xcf: {  	[sflag:s28] =	ssyncset.done $0x0  }
0xd0: {  	s30 =	simm.s32 $0xC780;
	[sflag:s28] =	ssyncadd.s32 $0xFFFFE000  }
0xd1: {  	[tilespmem:s26], [sflag:$0x4] =	stream.indirect.gather [spmem:s2], $0x40, s30, s14, $0xb8;
	[tilespmem:$0x1C280] =	vst v63  }
0xd2: {  	_ =	swait.ge [sflag:s23], $0x2000  }
0xd3: {  	[sflag:s23] =	ssyncset.done $0x0  }
0xd4: {  	s16 =	simm.s32 $0x12B00;
	[sflag:s23] =	ssyncadd.s32 $0xFFFFE000  }
0xd5: {  	[hbm4b:s0+s14] =	stream.indirect.scatter [tilespmem:s21], [sflag:$0x7], $0x40, s16, s14, $0xb8;
	[tilespmem:$0x1C280] =	vst v63  }
0xd6: {  	_ =	swait.ge [sflag:s29], $0x2000  }
0xd7: {  	[sflag:s29] =	ssyncset.done $0x0  }
0xd8: {  	s30 =	simm.s32 $0x6380;
	[sflag:s29] =	ssyncadd.s32 $0xFFFFE000  }
0xd9: {  	[tilespmem:s26], [sflag:$0x4] =	stream.indirect.gather.add.f32 [hbm:s4], $0x40, s30, s14, $0xb8;
	[tilespmem:$0x1C280] =	vst v63  }
0xda: {  	_ =	swait.ge [sflag:s29], $0x2000  }
0xdb: {  	[sflag:s29] =	ssyncset.done $0x0  }
0xdc: {  	[sflag:s29] =	ssyncadd.s32 $0xFFFFE000  }
0xdd: {  	[hbm4b:s0+s14] =	stream.indirect.scatter [tilespmem:s26], [sflag:$0x8], $0x40, s20, s14, $0xb8;
	[tilespmem:$0x1C280] =	vst v63  }
0xde: {  	_ =	swait.ge [sflag:s31], $0x2000  }
0xdf: {  	[sflag:s31] =	ssyncset.done $0x0  }
0xe0: {  	[sflag:s31] =	ssyncadd.s32 $0xFFFFE000  }
0xe1: {  	_ =	swait.ge [sflag:s22], $0x2000  }
0xe2: {  	[sflag:s22] =	ssyncset.done $0x0  }
0xe3: {  	s24 =	sadd.s32 $0x1, s24;
	[sflag:s22] =	ssyncadd.s32 $0xFFFFE000  }
0xe4: {  	p1 =	sne.s32 s24, s9;
	_ =	swait.ge [sflag:s25], $0x2000  }
.Ltmp1:
0xe5: {  	[sflag:s25] =	ssyncset.done $0x0;
	(pc) =	sbr.rel @p1 .LBB2_1-.Ltmp1, $4  }
0xe6: {  	[sflag:s25] =	ssyncadd.s32 $0xFFFFE000  }
0xe7: {  	_ =	swait.ge [sflag:s28], $0x2000  }
0xe8: {  	[sflag:s28] =	ssyncset.done $0x0  }
0xe9: {  	[sflag:s28] =	ssyncadd.s32 $0xFFFFE000  }
0xea: {  	_ =	sfence.sel $0x180000  }
0xeb: {  	[bflag:$0x0] =	sbarrier.arrive $0xFFFF  }
0xec: {  	_ =	strace $0x90000047  }
0xed: {  	[bflag:$0x2] =	sbarrier.arrive $0xFFFF  }
0xee: {  	s0 =	rddreg [dreg:$0x6]  }
0xef: {  	s0 =	sadd.s32 @!p0 $0x100000, s0  }
0xf0: {  	[sflag:s0] =	ssyncadd.tile.s32 @!p0 $0x1;
	_ =	shalt  }
.Lfunc_end2:
_tile_overlayer_lowered:
.L_overlay_start_2:
0xf1: {  	(tag) =	ssettag $0x2  }
0xf2: {  	s0 =	rddreg [dreg:$0x0];
	s2 =	stileid.u32  }
0xf3: {  	s1 =	rddreg [dreg:$0x1];
	p0 =	sne.s32 s2, $0x0  }
0xf4: {  	s3 =	rddreg [dreg:$0x2];
	[bflag:$0x3] =	sbarrier.arrive $0xFFFF;
	s2 =	simm.s32 @!p0 $0x1C09  }
0xf5: {  	[timem:s3], [sflag:s2] =	dma.local @!p0 [hbm:s0], s1  }
0xf6: {  	s0 =	simm.s32 @!p0 $0x9  }
0xf7: {  	_ =	swait.ge @!p0 [sflag:s0], s1  }
0xf8: {  	s1 =	ssub.s32 @!p0 $0x0, s1;
	[sflag:s0] =	ssyncset.done @!p0 $0x0  }
0xf9: {  	[sflag:s0] =	ssyncadd.s32 @!p0 s1  }
0xfa: {  	[bflag:$0x3] =	sbarrier.arrive $0xFFFF  }
0xfb: {  	_ =	shalt  }

// kernel: sparse-core-data-format-call.cloned.1.call-start
scs
called_computation_lowered:
.L_overlay_start_0:
0x0: {  	s2 =	sld [smem:$0x3FD9]  }
0x1: {  	s3 =	sld [smem:$0x3FFE];
	_ =	sdelay $0x1  }
0x2: {  	s1 =	srdreg.scid  }
0x3: {  	s0 =	sand.u32 $0x1, s1  }
0x4: {  	s18 =	sshll.u32 s0, $0xA;
	s2 =	sadd.s32 s3, s2  }
0x5: {  	s2 =	sadd.s32 s2, s18  }
0x6: {  	[smem:$0x3FC3] =	sst s2  }
0x7: {  	_ = 	snop  }
0x8: {  	s2 =	sld [smem:$0x3FD0];
	(tm) =	ssettm $0x1  }
0x9: {  	s19 =	sld [smem:$0x3FFB];
	_ =	sdelay $0x3  }
0xa: {  	_ =	strace s19  }
0xb: {  	s3 =	sld [smem:$0x3FFC];
	_ =	sdelay $0x3  }
0xc: {  	_ =	strace s3  }
0xd: {  	s3 =	sld [smem:$0x3FFD];
	_ =	sdelay $0x3  }
0xe: {  	_ =	strace s3  }
0xf: {  	_ =	strace $0x8FFFFFFF  }
0x10: {  	s20 =	sld [smem:$0x3FDB];
	_ =	sdelay $0x1  }
0x11: {  	s4 =	simm.s32 $_scs_section_size  }
0x12: {  	s5 =	simm.s32 $_size__tile_overlayer_lowered;
	s6 =	simm.s32 $_tile_overlayer_lowered  }
0x13: {  	s23 =	simm.s32 $0x1BFF;
	s22 =	sshll.u32 s6, $0x1;
	s3 =	sadd.s32 s4, s20  }
0x14: {  	s7 =	simm.s32 $0x0;
	s21 =	sshll.u32 s5, $0x1;
	s5 =	sadd.s32 s22, s3  }
0x15: {  	[timem:s7], [sflag:s23] =	dma.local [hbm:s5], s21  }
0x16: {  	_ =	swait.ge [sflag:s23], s21  }
0x17: {  	s4 =	ssub.s32 $0x0, s21;
	[sflag:s23] =	ssyncset.done $0x0  }
0x18: {  	[sflag:s23] =	ssyncadd.s32 s4;
	_ =	sdelay $0x1  }
0x19: {  	s24 =	simm.s32 $0x1B8B  }
0x1a: {  	_ =	swait.ge [sflag:s24], $0x1  }
0x1b: {  	[sflag:s24] =	ssyncset.done $0x0  }
0x1c: {  	s26 =	simm.s32 $0x1B8E;
	s25 =	sld [smem:$0x3FFE];
	[sflag:s24] =	ssyncadd.s32 $0xFFFFFFFF  }
0x1d: {  	s27 =	simm.s32 $execute0_lowered;
	[smem:$0x3FD2] =	sst s26  }
0x1e: {  	s5 =	sshll.u32 s27, $0x1;
	_ =	strace $0x80000049;
	[dreg:$0x1] =	wrdreg $0xFFFFFFFF  }
0x1f: {  	s28 =	simm.s32 $_size_execute0_lowered;
	s3 =	sadd.s32 s3, s5;
	[dreg:$0x0] =	wrdreg $0x0  }
0x20: {  	s5 =	sshll.u32 s28, $0x1;
	[dreg:$0x2] =	wrdreg s3  }
0x21: {  	[dreg:$0x3] =	wrdreg s5  }
0x22: {  	[dreg:$0x4] =	wrdreg $0xC0  }
0x23: {  	_ =	task [dreg:s7], $0x5FFFF  }
0x24: {  	[dreg:$0x1] =	wrdreg $0xFFFFFFFF  }
0x25: {  	[dreg:$0x0] =	wrdreg $0x60  }
0x26: {  	[dreg:$0x2] =	wrdreg s25  }
0x27: {  	[dreg:$0x3] =	wrdreg s2  }
0x28: {  	[dreg:$0x4] =	wrdreg $0x9  }
0x29: {  	_ =	task.clear_ibuf [dreg:s7], $0x5FFFF;
	_ =	strace $0x90000049  }
0x2a: {  	s29 =	simm.s32 $0x9;
	_ =	strace $0x8000004B  }
0x2b: {  	_ =	swait.ge [sflag:s29], $0x1  }
0x2c: {  	[sflag:s29] =	ssyncadd.s32 $0xFFFFFFFF  }
0x2d: {  	_ =	strace $0x9000004B  }
0x2e: {  	_ =	sfence  }
0x2f: {  	s30 =	sld [smem:$0x0];
	_ =	sdelay $0x2  }
0x30: {  	s31 =	sshll.u32 s1, $0xD;
	s1 =	sshrl.u32 s1, $0x2  }
0x31: {  	s3 =	sand.u32 $0x4000, s31;
	s1 =	sadd.s32 s1, s30  }
0x32: {  	s0 =	sor.u32 s3, s0;
	s1 =	sshll.u32 s1, $0x11  }
0x33: {  	s0 =	sor.u32 s1, s0  }
0x34: {  	s0 =	sadd.s32 $0x8F2B, s0  }
0x35: {  	[sflag:s0] =	ssyncadd.remote.s32 $0x1  }
0x36: {  	_ =	sfence.sel $0xFFFF  }
0x37: {  	[dreg:$0x0] =	wrdreg $0xFFFFFFFF;
	(pc) =	sbr.abs _section_cstart, $3  }
0x38: {  	[dreg:$0x1] =	wrdreg $0xFFFFFFFF  }
0x39: {  	_ =	task.clear_ibuf [dreg:s7], $0x2FFFF;
	_ =	strace $0x9FFFFFFF  }
0x3a: {  	(tm) =	ssettm $0x7FFFFFFF  }
0x3b: {  	_ =	shalt  }
tec
execute0_lowered:
.L_overlay_start_1:
0x0: {  	(tag) =	ssettag $0x1  }
0x1: {  	s0 =	srdreg.scid  }
0x2: {  	s1 =	sshll.u32 s0, $0x4  }
0x3: {  	s4 =	rddreg [dreg:$0x0];
	s0 =	stileid.u32;
	s1 =	sand.u32 $0x10, s1  }
0x4: {  	s2 =	rddreg [dreg:$0x1];
	s7 =	simm.s32 $0x1;
	s1 =	sor.u32 s0, s1  }
0x5: {  	s8 =	simm.s32 $0x2;
	s11 =	simm.s32 $0x0;
	s3 =	sshll.u32 s1, $0x7  }
0x6: {  	s10 =	simm.s32 $0x0;
	s4 =	sadd.s32 $0x800, s4;
	s6 =	ssub.s32 $0x1C0000, s3  }
.Ltmp0:
0x7: {  	s1 =	rddreg [dreg:$0x2];
	s5 =	sand.u32 $0xF80, s6;
	(pc) =	sbr.rel .LBB1_1-.Ltmp0, $4  }
0x8: {  	_ =	strace $0x8000004A;
	s9 =	smov.u32 s3;
	p0 =	sne.s32 s5, $0x0  }
0x9: {  	s6 =	sshrl.u32 s6, $0xC;
	s5 =	simm.s32 $0x1;
	s7 =	simm.s32 @!p0 $0x0  }
0xa: {  	[sflag:s5] =	ssyncpa.u1 $0x0;
	p0 =	por $0x0, $0x0;
	s6 =	sadd.s32 s7, s6  }
0xb: {  	[sflag:s8] =	ssyncpa.u1 $0x0;
	s8 =	simm.s32 $0xE00000;
	s7 =	sadd.s32 $0x1, s6  }
.LBB1_4:
0xc: {  	s14 =	sshll.u32 s11, $0x3  }
0xd: {  	s15 =	sshrl.u32 s14, $0x12  }
0xe: {  	s15 =	smulhi.u32 $0x24924925, s15;
	_ =	sdelay $0x1  }
0xf: {  	s28 =	sand.u32 $0x7F, s11;
	s14 =	sand.u32 $0xFFFFFC00, s14;
	s16 =	smul.u32 $0x1C0000, s15  }
0x10: {  	s11 =	sor.u32 s28, s14;
	s29 =	sand.u32 $0x3F, s15  }
0x11: {  	s14 =	smul.u32 $0x38000, s29;
	s11 =	ssub.s32 s11, s16  }
0x12: {  	[tilespmem:s13+$0x810 ss:$0x81] =	vst.msk $0xffff, v2;
	s30 =	sand.u32 $0x7, s11  }
0x13: {  	[tilespmem:s13+$0x1020 ss:$0x81] =	vst.msk $0xffff, v0;
	s11 =	sshrl.u32 s11, $0x3;
	s14 =	sadd.s32 s2, s14;
	s15 =	sshll.u32 s30, $0x12  }
0x14: {  	[tilespmem:s13+$0x0 ss:$0x81] =	vst.msk $0xffff, v1;
	s11 =	sadd.s32 s11, s14;
	s31 =	sor.u32 $0x400, s15  }
0x15: {  	[hbm4b:s11+s31] =	stream.strided.scatter [tilespmem:s12], [sflag:$0x2], $0x2000, s8, s31, $0x20;
	[tilespmem:$0x8080] =	vst v63  }
.LBB1_5:
0x16: {  	s13 =	sadd.s32 $0x1000, s9  }
0x17: {  	p2 =	sgt.s32 s13, $0x1BFFFF  }
0x18: {  	s13 =	smov.u32 @p2 s3;
	p2 =	sne.s32 s10, s7  }
.Ltmp1:
0x19: {  	p1 =	slt.u32 s10, $0x2;
	(pc) =	sbr.rel @!p2 .LBB1_6-.Ltmp1, $4  }
0x1a: {  	s12 =	simm.s32 @!p1 $0x2  }
0x1b: {  	s14 =	sadd.s32 $0x1, s10;
	_ =	swait.ge @!p1 [sflag:s12], $0x2000  }
0x1c: {  	s11 =	smov.u32 s9;
	p0 =	por !p0, !p0;
	[sflag:s12] =	ssyncset.done @!p1 $0x0  }
0x1d: {  	s10 =	smov.u32 s14;
	s9 =	smov.u32 s13;
	[sflag:s12] =	ssyncadd.s32 @!p1 $0xFFFFE000  }
.LBB1_1:
0x1e: {  	p1 =	sge.u32 s10, s6  }
0x1f: {  	s12 =	sand.u32 @!p1 $0x1FFFFFF, s9  }
0x20: {  	s13 =	smulhi.u32 @!p1 $0x2492493, s12;
	_ =	sdelay $0x1  }
0x21: {  	s13 =	sshrl.u32 @!p1 s13, $0xE  }
0x22: {  	s13 =	smul.u32 @!p1 $0x1C0000, s13;
	_ =	sdelay $0x1  }
0x23: {  	s31 =	sadd.s32 $0xFFFFFFFF, s10;
	s14 =	sxor.u32 @!p1 $0xFFFFFFFF, s10;
	s12 =	ssub.s32 @!p1 s12, s13  }
0x24: {  	s15 =	simm.s32 @!p1 $0x80;
	s14 =	sshll.u32 @!p1 s14, $0xD;
	s12 =	sshll.u32 @!p1 s12, $0x4  }
0x25: {  	s13 =	sand.u32 @!p1 $0x2000, s14;
	s14 =	simm.s32 @!p1 $0x40;
	s12 =	sadd.s32 @!p1 s4, s12  }
0x26: {  	[tilespmem:s13], [sflag:$0x1] =	stream.strided.gather @!p1 [hbm4b:s12+s14], $0x2000, s15, s14, $0x38;
	[tilespmem:$0x8080] =	vst v63  }
0x27: {  	p1 =	sge.u32 s31, s6  }
.Ltmp2:
0x28: {  	_ = 	snop;
	(pc) =	sbr.rel @p1 .LBB1_5-.Ltmp2, $1  }
0x29: {  	_ =	sdelay $0x3  }
0x2a: {  	s12 =	simm.s32 $0x1  }
0x2b: {  	_ =	swait.ge [sflag:s5], $0x2000;
	s12 =	simm.s32 @!p0 $0x0  }
0x2c: {  	[sflag:s5] =	ssyncset.done $0x0;
	s13 =	sshll.u32 s12, $0xD  }
0x2d: {  	[sflag:s5] =	ssyncadd.s32 $0xFFFFE000;
	s16 =	sor.u32 $0x20, s13  }
0x2e: {  	s12 =	smul.u32 $0x8100, s12;
	v3 =	vld [tilespmem:s16+$0x10]  }
0x2f: {  	s30 =	sand.u32 $0x1, s10;
	v2 =	vld [tilespmem:s16+$0xFFFFFFF0]  }
0x30: {  	s13 =	smul.u32 $0x8100, s30;
	s12 =	sshrl.u32 s12, $0x2;
	v0 =	vld [tilespmem:s16+$0x0]  }
0x31: {  	v1 =	vld [tilespmem:s16+$0xFFFFFFE0];
	s14 =	sor.u32 $0x4000, s12  }
0x32: {  	s31 =	sshrl.u32 s13, $0x2;
	s13 =	sadd.s32 $0x0, s14  }
0x33: {  	s15 =	simm.s32 $0x4;
	s16 =	sadd.s32 $0x40, s16;
	s12 =	sor.u32 $0x4000, s31;
	[tilespmem:s13+$0x1830 ss:$0x81] =	vst.msk $0xffff, v3  }
.LBB1_3:
0x34: {  	v3 =	vld [tilespmem:s16+$0x10];
	p1 =	sne.s32 s15, $0x1FC;
	[tilespmem:s13+$0x810 ss:$0x81] =	vst.msk $0xffff, v2;
	s17 =	smov.u32 s15;
	s15 =	sadd.s32 $0x4, s15  }
.Ltmp3:
0x35: {  	v2 =	vld [tilespmem:s16+$0xFFFFFFF0];
	[tilespmem:s13+$0x1020 ss:$0x81] =	vst.msk $0xffff, v0;
	(pc) =	sbr.rel @p1 .LBB1_3-.Ltmp3, $4  }
0x36: {  	v0 =	vld [tilespmem:s16+$0x0];
	[tilespmem:s13+$0x0 ss:$0x81] =	vst.msk $0xffff, v1  }
0x37: {  	s13 =	sshra.s32 s17, $0x2;
	v1 =	vld [tilespmem:s16+$0xFFFFFFE0]  }
0x38: {  	s13 =	sadd.s32 s13, s14  }
0x39: {  	s16 =	sadd.s32 $0x40, s16;
	[tilespmem:s13+$0x1830 ss:$0x81] =	vst.msk $0xffff, v3  }
.Ltmp4:
0x3a: {  	_ = 	snop;
	(pc) =	sbr.rel .LBB1_4-.Ltmp4, $1  }
0x3b: {  	_ =	sdelay $0x3  }
.LBB1_6:
0x3c: {  	_ =	sfence.sel $0x180000  }
0x3d: {  	s2 =	simm.s32 $0x1;
	[bflag:$0x0] =	sbarrier.arrive $0xFFFF  }
0x3e: {  	s31 =	simm.s32 $0x2;
	[sflag:s2] =	ssyncpa.u1 $0x1  }
0x3f: {  	[sflag:s31] =	ssyncpa.u1 $0x1  }
0x40: {  	p0 =	sne.s32 s0, $0x0;
	_ =	strace $0x9000004A  }
0x41: {  	s0 =	sadd.s32 @!p0 $0x100000, s1;
	[bflag:$0x2] =	sbarrier.arrive $0xFFFF  }
0x42: {  	[sflag:s0] =	ssyncadd.tile.s32 @!p0 $0x1;
	_ =	shalt  }
.Lfunc_end1:
_tile_overlayer_lowered:
.L_overlay_start_2:
0x43: {  	(tag) =	ssettag $0x2  }
0x44: {  	s0 =	rddreg [dreg:$0x0];
	s2 =	stileid.u32  }
0x45: {  	s1 =	rddreg [dreg:$0x1];
	p0 =	sne.s32 s2, $0x0  }
0x46: {  	s3 =	rddreg [dreg:$0x2];
	[bflag:$0x3] =	sbarrier.arrive $0xFFFF;
	s2 =	simm.s32 @!p0 $0x1C01  }
0x47: {  	[timem:s3], [sflag:s2] =	dma.local @!p0 [hbm:s0], s1  }
0x48: {  	s0 =	simm.s32 @!p0 $0x1  }
0x49: {  	_ =	swait.ge @!p0 [sflag:s0], s1  }
0x4a: {  	s1 =	ssub.s32 @!p0 $0x0, s1;
	[sflag:s0] =	ssyncset.done @!p0 $0x0  }
0x4b: {  	[sflag:s0] =	ssyncadd.s32 @!p0 s1  }
0x4c: {  	[bflag:$0x3] =	sbarrier.arrive $0xFFFF  }
0x4d: {  	_ =	shalt  }

</sc_bundles>
